<compile_context>
chip_gen: v7x
topology: tpu7x:2x2x1
jax: 0.10.2.dev20260603
libtpu: 0.0.44.dev20260713+nightly
codegen_flags: <defaults>
</compile_context>

<pallas_src>
import functools

import jax
import jax.numpy as jnp
from jax import lax
from jax.experimental import pallas as pl
from jax.experimental.pallas import tpu as pltpu
from jax.experimental.pallas import tpu_sc as plsc

_L = 16
_ROWS = 64
_N = 8192
_CHUNKS = _N // _L
_WORKERS = 32
_RPW = _ROWS // _WORKERS
_G = 8
_NGROUPS = _CHUNKS // _G
_PAD = -1e30


def kernel(input):
    x = input
    mesh = plsc.VectorSubcoreMesh(core_axis_name="c", subcore_axis_name="s")

    @functools.partial(
        pl.kernel,
        mesh=mesh,
        out_type=jax.ShapeDtypeStruct((_ROWS, _N), jnp.float32),
        scratch_types=[
            pltpu.VMEM((_RPW, _N), jnp.float32),
            pltpu.VMEM((_RPW, _N), jnp.float32),
            pltpu.VMEM((_RPW, _N + _L), jnp.float32),
            pltpu.VMEM((_RPW, _N + _L), jnp.int32),
            pltpu.VMEM((_RPW, _NGROUPS * _L), jnp.float32),
            pltpu.SemaphoreType.DMA,
            pltpu.SemaphoreType.DMA,
        ],
        compiler_params=pltpu.CompilerParams(needs_layout_passes=False),
    )
    def run(x_hbm, out_hbm, xbuf, obuf, cand, candix, gmax, sem_in, sem_out):
        wid = lax.axis_index("s") * 2 + lax.axis_index("c")
        base = wid * _RPW
        cp_in = pltpu.async_copy(x_hbm.at[pl.ds(base, _RPW)], xbuf, sem_in)

        zero16 = jnp.zeros((_L,), jnp.float32)

        def z(i, _):
            b = i * (_L * 8)
            for rr in range(_RPW):
                for u in range(8):
                    obuf[rr, pl.ds(b + u * _L, _L)] = zero16
            return 0

        lax.fori_loop(0, _CHUNKS // 8, z, 0)
        cp_in.wait()

        pad16 = jnp.full((_L,), _PAD, jnp.float32)
        lane = lax.iota(jnp.int32, _L)

        def p1(i, carry):
            a0, a1, b0, b1 = carry
            accs = [a0, a1]
            acc2s = [b0, b1]
            out = []
            for r in range(_RPW):
                bel = i * (_L * 8)
                vs = [xbuf[r, pl.ds(bel + u * _L, _L)] for u in range(8)]
                l1 = [jnp.maximum(vs[2 * j], vs[2 * j + 1]) for j in range(4)]
                l2 = [jnp.maximum(l1[0], l1[1]), jnp.maximum(l1[2], l1[3])]
                t = jnp.maximum(l2[0], l2[1])
                gmax[r, pl.ds(i * _L, _L)] = t
                out.append(jnp.maximum(accs[r], t))
                acc2s[r] = jnp.maximum(acc2s[r], jnp.minimum(accs[r], t))
            return out[0], out[1], acc2s[0], acc2s[1]

        m16_0, m16_1, s16_0, s16_1 = lax.fori_loop(
            0, _CHUNKS // 8, p1, (pad16, pad16, pad16, pad16))

        thrs, ms = [], []
        for m16, s16 in ((m16_0, s16_0), (m16_1, s16_1)):
            m = jnp.max(m16)
            m2 = jnp.maximum(
                jnp.max(jnp.where(m16 == m, _PAD, m16)), jnp.max(s16))
            thrs.append(jnp.maximum(m - 1.0, 0.5 * (m + m2 - 1.0)))
            ms.append(m)

        def p2(g, carry):
            hit0 = gmax[0, pl.ds(g * _L, _L)] > thrs[0]
            hit1 = gmax[1, pl.ds(g * _L, _L)] > thrs[1]

            def do(c):
                offs = list(c)
                for u in range(_G):
                    el = g * (_G * _L) + u * _L
                    for r in range(_RPW):
                        v = xbuf[r, pl.ds(el, _L)]
                        msk = v > thrs[r]
                        ones = jnp.where(msk, 1.0, 0.0).astype(jnp.float32)
                        cum = plsc.cumsum(ones)
                        pos = (cum.astype(jnp.int32) - 1) + offs[r]
                        row16 = jnp.full((_L,), r, jnp.int32)
                        plsc.store_scatter(cand, [row16, pos], v, mask=msk)
                        plsc.store_scatter(candix, [row16, pos], lane + el,
                                           mask=msk)
                        offs[r] = offs[r] + \
                            plsc.all_reduce_population_count(msk)
                return tuple(offs)

            return lax.cond(jnp.any(jnp.logical_or(hit0, hit1)), do,
                            lambda c: c, carry)

        zero16i = jnp.zeros((_L,), jnp.int32)
        offs = lax.fori_loop(0, _NGROUPS, p2, (zero16i,) * _RPW)

        cps = []
        for r in range(_RPW):
            cnt = jnp.max(offs[r].astype(jnp.float32)).astype(jnp.int32)
            cand[r, pl.ds(cnt, _L)] = pad16
            ncv = (cnt + (_L - 1)) >> 4

            def mic_cond(state):
                _, k_prev, k_cur, it = state
                return jnp.logical_and(k_cur != k_prev, it < 128)

            def mic_body(state):
                t16, _, k_cur, it = state

                def acc(i, c):
                    sv, kv = c
                    v = cand[r, pl.ds(i * _L, _L)]
                    msk = v > t16
                    return (sv + jnp.where(msk, v, 0.0),
                            kv + jnp.where(msk, 1.0, 0.0))

                sv, kv = lax.fori_loop(
                    0, ncv, acc,
                    (jnp.zeros((_L,), jnp.float32),
                     jnp.zeros((_L,), jnp.float32)))
                s_tot = jnp.sum(sv)
                k_tot = jnp.sum(kv)
                num = jnp.broadcast_to(s_tot - 1.0, (_L,))
                den = jnp.broadcast_to(jnp.maximum(k_tot, 1.0), (_L,))
                return num / den, k_cur, k_tot, it + 1

            thr16 = jnp.broadcast_to(thrs[r], (_L,))
            tau16, _, _, _ = lax.while_loop(
                mic_cond, mic_body,
                (thr16, jnp.float32(-1.0), jnp.float32(-2.0), jnp.int32(0)))

            row16 = jnp.full((_L,), r, jnp.int32)

            def pout(i, _):
                v = cand[r, pl.ds(i * _L, _L)]
                ix = candix[r, pl.ds(i * _L, _L)]
                msk = v > tau16
                plsc.store_scatter(obuf, [row16, ix],
                                   jnp.maximum(v - tau16, 0.0), mask=msk)
                return 0

            lax.fori_loop(0, ncv, pout, 0)
            cps.append(pltpu.async_copy(obuf.at[pl.ds(r, 1)],
                                        out_hbm.at[pl.ds(base + r, 1)],
                                        sem_out))
        for cp in cps:
            cp.wait()

    return run(x)

# --- scband reference (transcript-rebuilt; emitter-appended) ---
"""Pipeline reference for scband-sparsegen-29618094473533 (READ-ONLY COPY).

The authoritative reference and input builder live on the scoring server;
editing this copy changes nothing except your own understanding.
"""

import jax, jax.numpy as jnp
import numpy as np

SIGMA = 0.0

def setup_inputs(seed: int = 0) -> dict:
    key = jax.random.key(seed)
    x = jax.random.normal(key, (64, 8192), dtype=jnp.float32)
    return {"input": x}

def reference(input):
    original_shape = input.shape
    x = input.reshape(-1, input.shape[-1])
    n = x.shape[1]
    x = x - jnp.max(x, axis=1, keepdims=True)
    # descending sort
    zs = -jnp.sort(-x, axis=1)
    trange = jnp.arange(1, n + 1, dtype=x.dtype).reshape(1, -1)
    trange = jnp.broadcast_to(trange, zs.shape)
    bound = 1.0 - SIGMA + trange * zs
    cumulative_sum_zs = jnp.cumsum(zs, axis=1)
    is_gt = (bound > cumulative_sum_zs).astype(x.dtype)
    k = jnp.max(is_gt * trange, axis=1, keepdims=True)
    zs_sparse = is_gt * zs
    taus = (jnp.sum(zs_sparse, axis=1, keepdims=True) - 1.0 + SIGMA) / k
    out = jnp.maximum(jnp.zeros_like(x), (x - taus) / (1.0 - SIGMA))
    return out.reshape(original_shape)

if __name__ == "__main__":
    import jax
    _d = setup_inputs()
    print(jax.jit(kernel)(*tuple(_d.values())))

</pallas_src>

<mosaic_0001>
#map = affine_map<(d0, d1) -> (0, 0)>
module attributes {stable_mosaic.version = 14 : i64} {
  func.func @run(%arg0: i32, %arg1: i32, %arg2: memref<64x8192xf32, #tpu.memory_space<hbm>>, %arg3: memref<64x8192xf32, #tpu.memory_space<hbm>>, %arg4: memref<2x8192xf32, #tpu.memory_space<vmem>>, %arg5: memref<2x8192xf32, #tpu.memory_space<vmem>>, %arg6: memref<2x8208xf32, #tpu.memory_space<vmem>>, %arg7: memref<2x8208xi32, #tpu.memory_space<vmem>>, %arg8: memref<2x1024xf32, #tpu.memory_space<vmem>>, %arg9: memref<!tpu.dma_semaphore, #tpu.memory_space<semaphore_mem>>, %arg10: memref<!tpu.dma_semaphore, #tpu.memory_space<semaphore_mem>>) attributes {dimension_semantics = [#tpu.dimension_semantics<core_parallel>, #tpu.dimension_semantics<subcore_parallel>], iteration_bounds = array<i64: 2, 16>, scalar_prefetch = 0 : i64, scratch_operands = 7 : i64, tpu.core_type = #tpu.core_type<sc_vector_subcore>, window_params = [{transform_indices = #map}, {transform_indices = #map}]} {
    %mul3A = arith.constant 2 : i32
    %mul3A_0 = arith.muli %arg1, %mul3A : i32
    %add3A = arith.addi %mul3A_0, %arg0 : i32
    %mul3A_1 = arith.constant 2 : i32
    %mul3A_2 = arith.muli %add3A, %mul3A_1 : i32
    %dma_start3A = arith.constant 0 : i32
    %dma_start3A_3 = tpu.memref_slice %arg2[%mul3A_2, %dma_start3A] : memref<64x8192xf32, #tpu.memory_space<hbm>> -> memref<2x8192xf32, #tpu.memory_space<hbm>>
    %dma_start3A_4 = arith.constant 0 : i32
    %dma_start3A_5 = tpu.memref_slice %arg2[%mul3A_2, %dma_start3A_4] : memref<64x8192xf32, #tpu.memory_space<hbm>> -> memref<2x8192xf32, #tpu.memory_space<hbm>>
    tpu.enqueue_dma source(%dma_start3A_5 : memref<2x8192xf32, #tpu.memory_space<hbm>>) target(%arg4 : memref<2x8192xf32, #tpu.memory_space<vmem>>) target_semaphore(%arg9 : memref<!tpu.dma_semaphore, #tpu.memory_space<semaphore_mem>>)
    %broadcast_in_dim3A = arith.constant 0.000000e+00 : f32
    %broadcast_in_dim3A_6 = vector.broadcast %broadcast_in_dim3A : f32 to vector<16xf32>
    %scan3A = arith.constant 0 : i32
    %scan3A_7 = arith.constant 0 : i32
    %scan3A_8 = arith.constant 64 : i32
    %scan3A_9 = arith.addi %scan3A_7, %scan3A_8 : i32
    %scan3A_10 = arith.constant 1 : i32
    %scan3A_11 = scf.for %scan3A_184 = %scan3A_7 to %scan3A_9 step %scan3A_10 iter_args(%scan3A_185 = %scan3A) -> (i32)  : i32 {
      %mul3A_186 = arith.constant 128 : i32
      %mul3A_187 = arith.muli %scan3A_184, %mul3A_186 : i32
      %add3A_188 = arith.constant 0 : i32
      %add3A_189 = arith.addi %mul3A_187, %add3A_188 : i32
      %swap3A_190 = arith.constant 0 : i32
      %swap3A_191 = arith.index_cast %swap3A_190 : i32 to index
      %swap3A_192 = arith.index_cast %add3A_189 : i32 to index
      %swap3A_193 = tpu.vector_load %arg5[%swap3A_191, %swap3A_192] {strides = array<i32>} : memref<2x8192xf32, #tpu.memory_space<vmem>>, vector<16xf32>,
      tpu.vector_store %arg5[%swap3A_191, %swap3A_192], %broadcast_in_dim3A_6 {strides = array<i32>} : memref<2x8192xf32, #tpu.memory_space<vmem>>, vector<16xf32>,
      %add3A_194 = arith.constant 16 : i32
      %add3A_195 = arith.addi %mul3A_187, %add3A_194 : i32
      %swap3A_196 = arith.constant 0 : i32
      %swap3A_197 = arith.index_cast %swap3A_196 : i32 to index
      %swap3A_198 = arith.index_cast %add3A_195 : i32 to index
      %swap3A_199 = tpu.vector_load %arg5[%swap3A_197, %swap3A_198] {strides = array<i32>} : memref<2x8192xf32, #tpu.memory_space<vmem>>, vector<16xf32>,
      tpu.vector_store %arg5[%swap3A_197, %swap3A_198], %broadcast_in_dim3A_6 {strides = array<i32>} : memref<2x8192xf32, #tpu.memory_space<vmem>>, vector<16xf32>,
      %add3A_200 = arith.constant 32 : i32
      %add3A_201 = arith.addi %mul3A_187, %add3A_200 : i32
      %swap3A_202 = arith.constant 0 : i32
      %swap3A_203 = arith.index_cast %swap3A_202 : i32 to index
      %swap3A_204 = arith.index_cast %add3A_201 : i32 to index
      %swap3A_205 = tpu.vector_load %arg5[%swap3A_203, %swap3A_204] {strides = array<i32>} : memref<2x8192xf32, #tpu.memory_space<vmem>>, vector<16xf32>,
      tpu.vector_store %arg5[%swap3A_203, %swap3A_204], %broadcast_in_dim3A_6 {strides = array<i32>} : memref<2x8192xf32, #tpu.memory_space<vmem>>, vector<16xf32>,
      %add3A_206 = arith.constant 48 : i32
      %add3A_207 = arith.addi %mul3A_187, %add3A_206 : i32
      %swap3A_208 = arith.constant 0 : i32
      %swap3A_209 = arith.index_cast %swap3A_208 : i32 to index
      %swap3A_210 = arith.index_cast %add3A_207 : i32 to index
      %swap3A_211 = tpu.vector_load %arg5[%swap3A_209, %swap3A_210] {strides = array<i32>} : memref<2x8192xf32, #tpu.memory_space<vmem>>, vector<16xf32>,
      tpu.vector_store %arg5[%swap3A_209, %swap3A_210], %broadcast_in_dim3A_6 {strides = array<i32>} : memref<2x8192xf32, #tpu.memory_space<vmem>>, vector<16xf32>,
      %add3A_212 = arith.constant 64 : i32
      %add3A_213 = arith.addi %mul3A_187, %add3A_212 : i32
      %swap3A_214 = arith.constant 0 : i32
      %swap3A_215 = arith.index_cast %swap3A_214 : i32 to index
      %swap3A_216 = arith.index_cast %add3A_213 : i32 to index
      %swap3A_217 = tpu.vector_load %arg5[%swap3A_215, %swap3A_216] {strides = array<i32>} : memref<2x8192xf32, #tpu.memory_space<vmem>>, vector<16xf32>,
      tpu.vector_store %arg5[%swap3A_215, %swap3A_216], %broadcast_in_dim3A_6 {strides = array<i32>} : memref<2x8192xf32, #tpu.memory_space<vmem>>, vector<16xf32>,
      %add3A_218 = arith.constant 80 : i32
      %add3A_219 = arith.addi %mul3A_187, %add3A_218 : i32
      %swap3A_220 = arith.constant 0 : i32
      %swap3A_221 = arith.index_cast %swap3A_220 : i32 to index
      %swap3A_222 = arith.index_cast %add3A_219 : i32 to index
      %swap3A_223 = tpu.vector_load %arg5[%swap3A_221, %swap3A_222] {strides = array<i32>} : memref<2x8192xf32, #tpu.memory_space<vmem>>, vector<16xf32>,
      tpu.vector_store %arg5[%swap3A_221, %swap3A_222], %broadcast_in_dim3A_6 {strides = array<i32>} : memref<2x8192xf32, #tpu.memory_space<vmem>>, vector<16xf32>,
      %add3A_224 = arith.constant 96 : i32
      %add3A_225 = arith.addi %mul3A_187, %add3A_224 : i32
      %swap3A_226 = arith.constant 0 : i32
      %swap3A_227 = arith.index_cast %swap3A_226 : i32 to index
      %swap3A_228 = arith.index_cast %add3A_225 : i32 to index
      %swap3A_229 = tpu.vector_load %arg5[%swap3A_227, %swap3A_228] {strides = array<i32>} : memref<2x8192xf32, #tpu.memory_space<vmem>>, vector<16xf32>,
      tpu.vector_store %arg5[%swap3A_227, %swap3A_228], %broadcast_in_dim3A_6 {strides = array<i32>} : memref<2x8192xf32, #tpu.memory_space<vmem>>, vector<16xf32>,
      %add3A_230 = arith.constant 112 : i32
      %add3A_231 = arith.addi %mul3A_187, %add3A_230 : i32
      %swap3A_232 = arith.constant 0 : i32
      %swap3A_233 = arith.index_cast %swap3A_232 : i32 to index
      %swap3A_234 = arith.index_cast %add3A_231 : i32 to index
      %swap3A_235 = tpu.vector_load %arg5[%swap3A_233, %swap3A_234] {strides = array<i32>} : memref<2x8192xf32, #tpu.memory_space<vmem>>, vector<16xf32>,
      tpu.vector_store %arg5[%swap3A_233, %swap3A_234], %broadcast_in_dim3A_6 {strides = array<i32>} : memref<2x8192xf32, #tpu.memory_space<vmem>>, vector<16xf32>,
      %add3A_236 = arith.constant 0 : i32
      %add3A_237 = arith.addi %mul3A_187, %add3A_236 : i32
      %swap3A_238 = arith.constant 1 : i32
      %swap3A_239 = arith.index_cast %swap3A_238 : i32 to index
      %swap3A_240 = arith.index_cast %add3A_237 : i32 to index
      %swap3A_241 = tpu.vector_load %arg5[%swap3A_239, %swap3A_240] {strides = array<i32>} : memref<2x8192xf32, #tpu.memory_space<vmem>>, vector<16xf32>,
      tpu.vector_store %arg5[%swap3A_239, %swap3A_240], %broadcast_in_dim3A_6 {strides = array<i32>} : memref<2x8192xf32, #tpu.memory_space<vmem>>, vector<16xf32>,
      %add3A_242 = arith.constant 16 : i32
      %add3A_243 = arith.addi %mul3A_187, %add3A_242 : i32
      %swap3A_244 = arith.constant 1 : i32
      %swap3A_245 = arith.index_cast %swap3A_244 : i32 to index
      %swap3A_246 = arith.index_cast %add3A_243 : i32 to index
      %swap3A_247 = tpu.vector_load %arg5[%swap3A_245, %swap3A_246] {strides = array<i32>} : memref<2x8192xf32, #tpu.memory_space<vmem>>, vector<16xf32>,
      tpu.vector_store %arg5[%swap3A_245, %swap3A_246], %broadcast_in_dim3A_6 {strides = array<i32>} : memref<2x8192xf32, #tpu.memory_space<vmem>>, vector<16xf32>,
      %add3A_248 = arith.constant 32 : i32
      %add3A_249 = arith.addi %mul3A_187, %add3A_248 : i32
      %swap3A_250 = arith.constant 1 : i32
      %swap3A_251 = arith.index_cast %swap3A_250 : i32 to index
      %swap3A_252 = arith.index_cast %add3A_249 : i32 to index
      %swap3A_253 = tpu.vector_load %arg5[%swap3A_251, %swap3A_252] {strides = array<i32>} : memref<2x8192xf32, #tpu.memory_space<vmem>>, vector<16xf32>,
      tpu.vector_store %arg5[%swap3A_251, %swap3A_252], %broadcast_in_dim3A_6 {strides = array<i32>} : memref<2x8192xf32, #tpu.memory_space<vmem>>, vector<16xf32>,
      %add3A_254 = arith.constant 48 : i32
      %add3A_255 = arith.addi %mul3A_187, %add3A_254 : i32
      %swap3A_256 = arith.constant 1 : i32
      %swap3A_257 = arith.index_cast %swap3A_256 : i32 to index
      %swap3A_258 = arith.index_cast %add3A_255 : i32 to index
      %swap3A_259 = tpu.vector_load %arg5[%swap3A_257, %swap3A_258] {strides = array<i32>} : memref<2x8192xf32, #tpu.memory_space<vmem>>, vector<16xf32>,
      tpu.vector_store %arg5[%swap3A_257, %swap3A_258], %broadcast_in_dim3A_6 {strides = array<i32>} : memref<2x8192xf32, #tpu.memory_space<vmem>>, vector<16xf32>,
      %add3A_260 = arith.constant 64 : i32
      %add3A_261 = arith.addi %mul3A_187, %add3A_260 : i32
      %swap3A_262 = arith.constant 1 : i32
      %swap3A_263 = arith.index_cast %swap3A_262 : i32 to index
      %swap3A_264 = arith.index_cast %add3A_261 : i32 to index
      %swap3A_265 = tpu.vector_load %arg5[%swap3A_263, %swap3A_264] {strides = array<i32>} : memref<2x8192xf32, #tpu.memory_space<vmem>>, vector<16xf32>,
      tpu.vector_store %arg5[%swap3A_263, %swap3A_264], %broadcast_in_dim3A_6 {strides = array<i32>} : memref<2x8192xf32, #tpu.memory_space<vmem>>, vector<16xf32>,
      %add3A_266 = arith.constant 80 : i32
      %add3A_267 = arith.addi %mul3A_187, %add3A_266 : i32
      %swap3A_268 = arith.constant 1 : i32
      %swap3A_269 = arith.index_cast %swap3A_268 : i32 to index
      %swap3A_270 = arith.index_cast %add3A_267 : i32 to index
      %swap3A_271 = tpu.vector_load %arg5[%swap3A_269, %swap3A_270] {strides = array<i32>} : memref<2x8192xf32, #tpu.memory_space<vmem>>, vector<16xf32>,
      tpu.vector_store %arg5[%swap3A_269, %swap3A_270], %broadcast_in_dim3A_6 {strides = array<i32>} : memref<2x8192xf32, #tpu.memory_space<vmem>>, vector<16xf32>,
      %add3A_272 = arith.constant 96 : i32
      %add3A_273 = arith.addi %mul3A_187, %add3A_272 : i32
      %swap3A_274 = arith.constant 1 : i32
      %swap3A_275 = arith.index_cast %swap3A_274 : i32 to index
      %swap3A_276 = arith.index_cast %add3A_273 : i32 to index
      %swap3A_277 = tpu.vector_load %arg5[%swap3A_275, %swap3A_276] {strides = array<i32>} : memref<2x8192xf32, #tpu.memory_space<vmem>>, vector<16xf32>,
      tpu.vector_store %arg5[%swap3A_275, %swap3A_276], %broadcast_in_dim3A_6 {strides = array<i32>} : memref<2x8192xf32, #tpu.memory_space<vmem>>, vector<16xf32>,
      %add3A_278 = arith.constant 112 : i32
      %add3A_279 = arith.addi %mul3A_187, %add3A_278 : i32
      %swap3A_280 = arith.constant 1 : i32
      %swap3A_281 = arith.index_cast %swap3A_280 : i32 to index
      %swap3A_282 = arith.index_cast %add3A_279 : i32 to index
      %swap3A_283 = tpu.vector_load %arg5[%swap3A_281, %swap3A_282] {strides = array<i32>} : memref<2x8192xf32, #tpu.memory_space<vmem>>, vector<16xf32>,
      tpu.vector_store %arg5[%swap3A_281, %swap3A_282], %broadcast_in_dim3A_6 {strides = array<i32>} : memref<2x8192xf32, #tpu.memory_space<vmem>>, vector<16xf32>,
      %scan3A_284 = arith.constant 0 : i32
      scf.yield %scan3A_284 : i32
    }
    %scan3A_12 = arith.constant 64 : i32
    %dma_wait3A = arith.constant 0 : i32
    %dma_wait3A_13 = tpu.memref_slice %arg2[%mul3A_2, %dma_wait3A] : memref<64x8192xf32, #tpu.memory_space<hbm>> -> memref<2x8192xf32, #tpu.memory_space<hbm>>
    %dma_wait3A_14 = arith.constant 0 : i32
    %dma_wait3A_15 = tpu.memref_slice %arg2[%mul3A_2, %dma_wait3A_14] : memref<64x8192xf32, #tpu.memory_space<hbm>> -> memref<2x8192xf32, #tpu.memory_space<hbm>>
    tpu.wait_dma2 semaphore(%arg9 : memref<!tpu.dma_semaphore, #tpu.memory_space<semaphore_mem>>) src(%dma_wait3A_15 : memref<2x8192xf32, #tpu.memory_space<hbm>>) dst(%arg4 : memref<2x8192xf32, #tpu.memory_space<vmem>>)
    %broadcast_in_dim3A_16 = arith.constant -1.000000e+30 : f32
    %broadcast_in_dim3A_17 = vector.broadcast %broadcast_in_dim3A_16 : f32 to vector<16xf32>
    %iota3A = tpu.iota {dimensions = array<i32: 0>} : vector<16xi32>
    %scan3A_18 = arith.constant 0 : i32
    %scan3A_19 = arith.constant 64 : i32
    %scan3A_20 = arith.addi %scan3A_18, %scan3A_19 : i32
    %scan3A_21 = arith.constant 1 : i32
    %scan3A_22:4 = scf.for %scan3A_184 = %scan3A_18 to %scan3A_20 step %scan3A_21 iter_args(%scan3A_185 = %broadcast_in_dim3A_17, %scan3A_186 = %broadcast_in_dim3A_17, %scan3A_187 = %broadcast_in_dim3A_17, %scan3A_188 = %broadcast_in_dim3A_17) -> (vector<16xf32>, vector<16xf32>, vector<16xf32>, vector<16xf32>)  : i32 {
      %mul3A_189 = arith.constant 128 : i32
      %mul3A_190 = arith.muli %scan3A_184, %mul3A_189 : i32
      %add3A_191 = arith.constant 0 : i32
      %add3A_192 = arith.addi %mul3A_190, %add3A_191 : i32
      %get3A = arith.constant 0 : i32
      %get3A_193 = arith.index_cast %get3A : i32 to index
      %get3A_194 = arith.index_cast %add3A_192 : i32 to index
      %get3A_195 = tpu.vector_load %arg4[%get3A_193, %get3A_194] {strides = array<i32>} : memref<2x8192xf32, #tpu.memory_space<vmem>>, vector<16xf32>,
      %add3A_196 = arith.constant 16 : i32
      %add3A_197 = arith.addi %mul3A_190, %add3A_196 : i32
      %get3A_198 = arith.constant 0 : i32
      %get3A_199 = arith.index_cast %get3A_198 : i32 to index
      %get3A_200 = arith.index_cast %add3A_197 : i32 to index
      %get3A_201 = tpu.vector_load %arg4[%get3A_199, %get3A_200] {strides = array<i32>} : memref<2x8192xf32, #tpu.memory_space<vmem>>, vector<16xf32>,
      %add3A_202 = arith.constant 32 : i32
      %add3A_203 = arith.addi %mul3A_190, %add3A_202 : i32
      %get3A_204 = arith.constant 0 : i32
      %get3A_205 = arith.index_cast %get3A_204 : i32 to index
      %get3A_206 = arith.index_cast %add3A_203 : i32 to index
      %get3A_207 = tpu.vector_load %arg4[%get3A_205, %get3A_206] {strides = array<i32>} : memref<2x8192xf32, #tpu.memory_space<vmem>>, vector<16xf32>,
      %add3A_208 = arith.constant 48 : i32
      %add3A_209 = arith.addi %mul3A_190, %add3A_208 : i32
      %get3A_210 = arith.constant 0 : i32
      %get3A_211 = arith.index_cast %get3A_210 : i32 to index
      %get3A_212 = arith.index_cast %add3A_209 : i32 to index
      %get3A_213 = tpu.vector_load %arg4[%get3A_211, %get3A_212] {strides = array<i32>} : memref<2x8192xf32, #tpu.memory_space<vmem>>, vector<16xf32>,
      %add3A_214 = arith.constant 64 : i32
      %add3A_215 = arith.addi %mul3A_190, %add3A_214 : i32
      %get3A_216 = arith.constant 0 : i32
      %get3A_217 = arith.index_cast %get3A_216 : i32 to index
      %get3A_218 = arith.index_cast %add3A_215 : i32 to index
      %get3A_219 = tpu.vector_load %arg4[%get3A_217, %get3A_218] {strides = array<i32>} : memref<2x8192xf32, #tpu.memory_space<vmem>>, vector<16xf32>,
      %add3A_220 = arith.constant 80 : i32
      %add3A_221 = arith.addi %mul3A_190, %add3A_220 : i32
      %get3A_222 = arith.constant 0 : i32
      %get3A_223 = arith.index_cast %get3A_222 : i32 to index
      %get3A_224 = arith.index_cast %add3A_221 : i32 to index
      %get3A_225 = tpu.vector_load %arg4[%get3A_223, %get3A_224] {strides = array<i32>} : memref<2x8192xf32, #tpu.memory_space<vmem>>, vector<16xf32>,
      %add3A_226 = arith.constant 96 : i32
      %add3A_227 = arith.addi %mul3A_190, %add3A_226 : i32
      %get3A_228 = arith.constant 0 : i32
      %get3A_229 = arith.index_cast %get3A_228 : i32 to index
      %get3A_230 = arith.index_cast %add3A_227 : i32 to index
      %get3A_231 = tpu.vector_load %arg4[%get3A_229, %get3A_230] {strides = array<i32>} : memref<2x8192xf32, #tpu.memory_space<vmem>>, vector<16xf32>,
      %add3A_232 = arith.constant 112 : i32
      %add3A_233 = arith.addi %mul3A_190, %add3A_232 : i32
      %get3A_234 = arith.constant 0 : i32
      %get3A_235 = arith.index_cast %get3A_234 : i32 to index
      %get3A_236 = arith.index_cast %add3A_233 : i32 to index
      %get3A_237 = tpu.vector_load %arg4[%get3A_235, %get3A_236] {strides = array<i32>} : memref<2x8192xf32, #tpu.memory_space<vmem>>, vector<16xf32>,
      %max3A_238 = arith.maximumf %get3A_195, %get3A_201 : vector<16xf32>
      %max3A_239 = arith.maximumf %get3A_207, %get3A_213 : vector<16xf32>
      %max3A_240 = arith.maximumf %get3A_219, %get3A_225 : vector<16xf32>
      %max3A_241 = arith.maximumf %get3A_231, %get3A_237 : vector<16xf32>
      %max3A_242 = arith.maximumf %max3A_238, %max3A_239 : vector<16xf32>
      %max3A_243 = arith.maximumf %max3A_240, %max3A_241 : vector<16xf32>
      %max3A_244 = arith.maximumf %max3A_242, %max3A_243 : vector<16xf32>
      %mul3A_245 = arith.constant 16 : i32
      %mul3A_246 = arith.muli %scan3A_184, %mul3A_245 : i32
      %swap3A_247 = arith.constant 0 : i32
      %swap3A_248 = arith.index_cast %swap3A_247 : i32 to index
      %swap3A_249 = arith.index_cast %mul3A_246 : i32 to index
      %swap3A_250 = tpu.vector_load %arg8[%swap3A_248, %swap3A_249] {strides = array<i32>} : memref<2x1024xf32, #tpu.memory_space<vmem>>, vector<16xf32>,
      tpu.vector_store %arg8[%swap3A_248, %swap3A_249], %max3A_244 {strides = array<i32>} : memref<2x1024xf32, #tpu.memory_space<vmem>>, vector<16xf32>,
      %max3A_251 = arith.maximumf %scan3A_185, %max3A_244 : vector<16xf32>
      %min3A = arith.minimumf %scan3A_185, %max3A_244 : vector<16xf32>
      %max3A_252 = arith.maximumf %scan3A_187, %min3A : vector<16xf32>
      %mul3A_253 = arith.constant 128 : i32
      %mul3A_254 = arith.muli %scan3A_184, %mul3A_253 : i32
      %add3A_255 = arith.constant 0 : i32
      %add3A_256 = arith.addi %mul3A_254, %add3A_255 : i32
      %get3A_257 = arith.constant 1 : i32
      %get3A_258 = arith.index_cast %get3A_257 : i32 to index
      %get3A_259 = arith.index_cast %add3A_256 : i32 to index
      %get3A_260 = tpu.vector_load %arg4[%get3A_258, %get3A_259] {strides = array<i32>} : memref<2x8192xf32, #tpu.memory_space<vmem>>, vector<16xf32>,
      %add3A_261 = arith.constant 16 : i32
      %add3A_262 = arith.addi %mul3A_254, %add3A_261 : i32
      %get3A_263 = arith.constant 1 : i32
      %get3A_264 = arith.index_cast %get3A_263 : i32 to index
      %get3A_265 = arith.index_cast %add3A_262 : i32 to index
      %get3A_266 = tpu.vector_load %arg4[%get3A_264, %get3A_265] {strides = array<i32>} : memref<2x8192xf32, #tpu.memory_space<vmem>>, vector<16xf32>,
      %add3A_267 = arith.constant 32 : i32
      %add3A_268 = arith.addi %mul3A_254, %add3A_267 : i32
      %get3A_269 = arith.constant 1 : i32
      %get3A_270 = arith.index_cast %get3A_269 : i32 to index
      %get3A_271 = arith.index_cast %add3A_268 : i32 to index
      %get3A_272 = tpu.vector_load %arg4[%get3A_270, %get3A_271] {strides = array<i32>} : memref<2x8192xf32, #tpu.memory_space<vmem>>, vector<16xf32>,
      %add3A_273 = arith.constant 48 : i32
      %add3A_274 = arith.addi %mul3A_254, %add3A_273 : i32
      %get3A_275 = arith.constant 1 : i32
      %get3A_276 = arith.index_cast %get3A_275 : i32 to index
      %get3A_277 = arith.index_cast %add3A_274 : i32 to index
      %get3A_278 = tpu.vector_load %arg4[%get3A_276, %get3A_277] {strides = array<i32>} : memref<2x8192xf32, #tpu.memory_space<vmem>>, vector<16xf32>,
      %add3A_279 = arith.constant 64 : i32
      %add3A_280 = arith.addi %mul3A_254, %add3A_279 : i32
      %get3A_281 = arith.constant 1 : i32
      %get3A_282 = arith.index_cast %get3A_281 : i32 to index
      %get3A_283 = arith.index_cast %add3A_280 : i32 to index
      %get3A_284 = tpu.vector_load %arg4[%get3A_282, %get3A_283] {strides = array<i32>} : memref<2x8192xf32, #tpu.memory_space<vmem>>, vector<16xf32>,
      %add3A_285 = arith.constant 80 : i32
      %add3A_286 = arith.addi %mul3A_254, %add3A_285 : i32
      %get3A_287 = arith.constant 1 : i32
      %get3A_288 = arith.index_cast %get3A_287 : i32 to index
      %get3A_289 = arith.index_cast %add3A_286 : i32 to index
      %get3A_290 = tpu.vector_load %arg4[%get3A_288, %get3A_289] {strides = array<i32>} : memref<2x8192xf32, #tpu.memory_space<vmem>>, vector<16xf32>,
      %add3A_291 = arith.constant 96 : i32
      %add3A_292 = arith.addi %mul3A_254, %add3A_291 : i32
      %get3A_293 = arith.constant 1 : i32
      %get3A_294 = arith.index_cast %get3A_293 : i32 to index
      %get3A_295 = arith.index_cast %add3A_292 : i32 to index
      %get3A_296 = tpu.vector_load %arg4[%get3A_294, %get3A_295] {strides = array<i32>} : memref<2x8192xf32, #tpu.memory_space<vmem>>, vector<16xf32>,
      %add3A_297 = arith.constant 112 : i32
      %add3A_298 = arith.addi %mul3A_254, %add3A_297 : i32
      %get3A_299 = arith.constant 1 : i32
      %get3A_300 = arith.index_cast %get3A_299 : i32 to index
      %get3A_301 = arith.index_cast %add3A_298 : i32 to index
      %get3A_302 = tpu.vector_load %arg4[%get3A_300, %get3A_301] {strides = array<i32>} : memref<2x8192xf32, #tpu.memory_space<vmem>>, vector<16xf32>,
      %max3A_303 = arith.maximumf %get3A_260, %get3A_266 : vector<16xf32>
      %max3A_304 = arith.maximumf %get3A_272, %get3A_278 : vector<16xf32>
      %max3A_305 = arith.maximumf %get3A_284, %get3A_290 : vector<16xf32>
      %max3A_306 = arith.maximumf %get3A_296, %get3A_302 : vector<16xf32>
      %max3A_307 = arith.maximumf %max3A_303, %max3A_304 : vector<16xf32>
      %max3A_308 = arith.maximumf %max3A_305, %max3A_306 : vector<16xf32>
      %max3A_309 = arith.maximumf %max3A_307, %max3A_308 : vector<16xf32>
      %mul3A_310 = arith.constant 16 : i32
      %mul3A_311 = arith.muli %scan3A_184, %mul3A_310 : i32
      %swap3A_312 = arith.constant 1 : i32
      %swap3A_313 = arith.index_cast %swap3A_312 : i32 to index
      %swap3A_314 = arith.index_cast %mul3A_311 : i32 to index
      %swap3A_315 = tpu.vector_load %arg8[%swap3A_313, %swap3A_314] {strides = array<i32>} : memref<2x1024xf32, #tpu.memory_space<vmem>>, vector<16xf32>,
      tpu.vector_store %arg8[%swap3A_313, %swap3A_314], %max3A_309 {strides = array<i32>} : memref<2x1024xf32, #tpu.memory_space<vmem>>, vector<16xf32>,
      %max3A_316 = arith.maximumf %scan3A_186, %max3A_309 : vector<16xf32>
      %min3A_317 = arith.minimumf %scan3A_186, %max3A_309 : vector<16xf32>
      %max3A_318 = arith.maximumf %scan3A_188, %min3A_317 : vector<16xf32>
      scf.yield %max3A_251, %max3A_316, %max3A_252, %max3A_318 : vector<16xf32>, vector<16xf32>, vector<16xf32>, vector<16xf32>
    }
    %scan3A_23 = arith.constant 64 : i32
    %reduce_max3A = arith.constant true
    %reduce_max3A_24 = vector.broadcast %reduce_max3A : i1 to vector<16xi1>
    %reduce_max3A_25 = tpu.scan <max>, %scan3A_22#0 masked %reduce_max3A_24 : vector<16xf32>, vector<16xi1> -> vector<16xf32>
    %reduce_max3A_26 = vector.extract %reduce_max3A_25[15] : f32 from vector<16xf32>
    %eq3A = vector.broadcast %reduce_max3A_26 : f32 to vector<16xf32>
    %eq3A_27 = arith.cmpf oeq, %scan3A_22#0, %eq3A : vector<16xf32>
    %jit3A = arith.constant -1.000000e+30 : f32
    %broadcast_in_dim3A_28 = vector.broadcast %jit3A : f32 to vector<16xf32>
    %select_n3A = arith.select %eq3A_27, %broadcast_in_dim3A_28, %scan3A_22#0 : vector<16xi1>, vector<16xf32>
    %reduce_max3A_29 = arith.constant true
    %reduce_max3A_30 = vector.broadcast %reduce_max3A_29 : i1 to vector<16xi1>
    %reduce_max3A_31 = tpu.scan <max>, %select_n3A masked %reduce_max3A_30 : vector<16xf32>, vector<16xi1> -> vector<16xf32>
    %reduce_max3A_32 = vector.extract %reduce_max3A_31[15] : f32 from vector<16xf32>
    %reduce_max3A_33 = arith.constant true
    %reduce_max3A_34 = vector.broadcast %reduce_max3A_33 : i1 to vector<16xi1>
    %reduce_max3A_35 = tpu.scan <max>, %scan3A_22#2 masked %reduce_max3A_34 : vector<16xf32>, vector<16xi1> -> vector<16xf32>
    %reduce_max3A_36 = vector.extract %reduce_max3A_35[15] : f32 from vector<16xf32>
    %max3A = arith.maximumf %reduce_max3A_32, %reduce_max3A_36 : f32
    %sub3A = arith.constant 1.000000e+00 : f32
    %sub3A_37 = arith.subf %reduce_max3A_26, %sub3A : f32
    %add3A_38 = arith.addf %reduce_max3A_26, %max3A : f32
    %sub3A_39 = arith.constant 1.000000e+00 : f32
    %sub3A_40 = arith.subf %add3A_38, %sub3A_39 : f32
    %mul3A_41 = arith.constant 5.000000e-01 : f32
    %mul3A_42 = arith.mulf %mul3A_41, %sub3A_40 : f32
    %max3A_43 = arith.maximumf %sub3A_37, %mul3A_42 : f32
    %reduce_max3A_44 = arith.constant true
    %reduce_max3A_45 = vector.broadcast %reduce_max3A_44 : i1 to vector<16xi1>
    %reduce_max3A_46 = tpu.scan <max>, %scan3A_22#1 masked %reduce_max3A_45 : vector<16xf32>, vector<16xi1> -> vector<16xf32>
    %reduce_max3A_47 = vector.extract %reduce_max3A_46[15] : f32 from vector<16xf32>
    %eq3A_48 = vector.broadcast %reduce_max3A_47 : f32 to vector<16xf32>
    %eq3A_49 = arith.cmpf oeq, %scan3A_22#1, %eq3A_48 : vector<16xf32>
    %jit3A_50 = arith.constant -1.000000e+30 : f32
    %broadcast_in_dim3A_51 = vector.broadcast %jit3A_50 : f32 to vector<16xf32>
    %select_n3A_52 = arith.select %eq3A_49, %broadcast_in_dim3A_51, %scan3A_22#1 : vector<16xi1>, vector<16xf32>
    %reduce_max3A_53 = arith.constant true
    %reduce_max3A_54 = vector.broadcast %reduce_max3A_53 : i1 to vector<16xi1>
    %reduce_max3A_55 = tpu.scan <max>, %select_n3A_52 masked %reduce_max3A_54 : vector<16xf32>, vector<16xi1> -> vector<16xf32>
    %reduce_max3A_56 = vector.extract %reduce_max3A_55[15] : f32 from vector<16xf32>
    %reduce_max3A_57 = arith.constant true
    %reduce_max3A_58 = vector.broadcast %reduce_max3A_57 : i1 to vector<16xi1>
    %reduce_max3A_59 = tpu.scan <max>, %scan3A_22#3 masked %reduce_max3A_58 : vector<16xf32>, vector<16xi1> -> vector<16xf32>
    %reduce_max3A_60 = vector.extract %reduce_max3A_59[15] : f32 from vector<16xf32>
    %max3A_61 = arith.maximumf %reduce_max3A_56, %reduce_max3A_60 : f32
    %sub3A_62 = arith.constant 1.000000e+00 : f32
    %sub3A_63 = arith.subf %reduce_max3A_47, %sub3A_62 : f32
    %add3A_64 = arith.addf %reduce_max3A_47, %max3A_61 : f32
    %sub3A_65 = arith.constant 1.000000e+00 : f32
    %sub3A_66 = arith.subf %add3A_64, %sub3A_65 : f32
    %mul3A_67 = arith.constant 5.000000e-01 : f32
    %mul3A_68 = arith.mulf %mul3A_67, %sub3A_66 : f32
    %max3A_69 = arith.maximumf %sub3A_63, %mul3A_68 : f32
    %broadcast_in_dim3A_70 = arith.constant 0 : i32
    %broadcast_in_dim3A_71 = vector.broadcast %broadcast_in_dim3A_70 : i32 to vector<16xi32>
    %scan3A_72 = arith.constant 0 : i32
    %scan3A_73 = arith.constant 64 : i32
    %scan3A_74 = arith.addi %scan3A_72, %scan3A_73 : i32
    %scan3A_75 = arith.constant 1 : i32
    %scan3A_76:2 = scf.for %scan3A_184 = %scan3A_72 to %scan3A_74 step %scan3A_75 iter_args(%scan3A_185 = %broadcast_in_dim3A_71, %scan3A_186 = %broadcast_in_dim3A_71) -> (vector<16xi32>, vector<16xi32>)  : i32 {
      %mul3A_187 = arith.constant 16 : i32
      %mul3A_188 = arith.muli %scan3A_184, %mul3A_187 : i32
      %get3A = arith.constant 0 : i32
      %get3A_189 = arith.index_cast %get3A : i32 to index
      %get3A_190 = arith.index_cast %mul3A_188 : i32 to index
      %get3A_191 = tpu.vector_load %arg8[%get3A_189, %get3A_190] {strides = array<i32>} : memref<2x1024xf32, #tpu.memory_space<vmem>>, vector<16xf32>,
      %gt3A = vector.broadcast %max3A_43 : f32 to vector<16xf32>
      %gt3A_192 = arith.cmpf ogt, %get3A_191, %gt3A : vector<16xf32>
      %mul3A_193 = arith.constant 16 : i32
      %mul3A_194 = arith.muli %scan3A_184, %mul3A_193 : i32
      %get3A_195 = arith.constant 1 : i32
      %get3A_196 = arith.index_cast %get3A_195 : i32 to index
      %get3A_197 = arith.index_cast %mul3A_194 : i32 to index
      %get3A_198 = tpu.vector_load %arg8[%get3A_196, %get3A_197] {strides = array<i32>} : memref<2x1024xf32, #tpu.memory_space<vmem>>, vector<16xf32>,
      %gt3A_199 = vector.broadcast %max3A_69 : f32 to vector<16xf32>
      %gt3A_200 = arith.cmpf ogt, %get3A_198, %gt3A_199 : vector<16xf32>
      %or3A = arith.ori %gt3A_192, %gt3A_200 : vector<16xi1>
      %reduce_or3A = arith.constant 1.000000e+00 : f32
      %reduce_or3A_201 = arith.constant 0.000000e+00 : f32
      %reduce_or3A_202 = vector.broadcast %reduce_or3A : f32 to vector<16xf32>
      %reduce_or3A_203 = vector.broadcast %reduce_or3A_201 : f32 to vector<16xf32>
      %reduce_or3A_204 = arith.select %or3A, %reduce_or3A_202, %reduce_or3A_203 : vector<16xi1>, vector<16xf32>
      %reduce_or3A_205 = arith.constant true
      %reduce_or3A_206 = vector.broadcast %reduce_or3A_205 : i1 to vector<16xi1>
      %reduce_or3A_207 = tpu.scan <max>, %reduce_or3A_204 masked %reduce_or3A_206 : vector<16xf32>, vector<16xi1> -> vector<16xf32>
      %reduce_or3A_208 = vector.extract %reduce_or3A_207[15] : f32 from vector<16xf32>
      %reduce_or3A_209 = arith.constant 0.000000e+00 : f32
      %reduce_or3A_210 = arith.cmpf ogt, %reduce_or3A_208, %reduce_or3A_209 : f32
      %convert_element_type3A_211 = arith.extui %reduce_or3A_210 : i1 to i32
      %cond3A = arith.constant 0 : i32
      %cond3A_212 = arith.cmpi ne, %convert_element_type3A_211, %cond3A : i32
      %cond3A_213:2 = scf.if %cond3A_212 -> (vector<16xi32>, vector<16xi32>) {
        %mul3A_214 = arith.constant 128 : i32
        %mul3A_215 = arith.muli %scan3A_184, %mul3A_214 : i32
        %add3A_216 = arith.constant 0 : i32
        %add3A_217 = arith.addi %mul3A_215, %add3A_216 : i32
        %get3A_218 = arith.constant 0 : i32
        %get3A_219 = arith.index_cast %get3A_218 : i32 to index
        %get3A_220 = arith.index_cast %add3A_217 : i32 to index
        %get3A_221 = tpu.vector_load %arg4[%get3A_219, %get3A_220] {strides = array<i32>} : memref<2x8192xf32, #tpu.memory_space<vmem>>, vector<16xf32>,
        %gt3A_222 = vector.broadcast %max3A_43 : f32 to vector<16xf32>
        %gt3A_223 = arith.cmpf ogt, %get3A_221, %gt3A_222 : vector<16xf32>
        %jit3A_224 = arith.constant 1.000000e+00 : f32
        %jit3A_225 = arith.constant 0.000000e+00 : f32
        %broadcast_in_dim3A_226 = vector.broadcast %jit3A_224 : f32 to vector<16xf32>
        %broadcast_in_dim3A_227 = vector.broadcast %jit3A_225 : f32 to vector<16xf32>
        %select_n3A_228 = arith.select %gt3A_223, %broadcast_in_dim3A_226, %broadcast_in_dim3A_227 : vector<16xi1>, vector<16xf32>
        %broadcast_in_dim3A_229 = arith.constant true
        %broadcast_in_dim3A_230 = vector.broadcast %broadcast_in_dim3A_229 : i1 to vector<16xi1>
        %masked_cumsum3A = tpu.scan <sum>, %select_n3A_228 masked %broadcast_in_dim3A_230 : vector<16xf32>, vector<16xi1> -> vector<16xf32>
        %convert_element_type3A_231 = arith.fptosi %masked_cumsum3A : vector<16xf32> to vector<16xi32>
        %sub3A_232 = arith.constant 1 : i32
        %sub3A_233 = vector.broadcast %sub3A_232 : i32 to vector<16xi32>
        %sub3A_234 = arith.subi %convert_element_type3A_231, %sub3A_233 : vector<16xi32>
        %add3A_235 = arith.addi %sub3A_234, %scan3A_185 : vector<16xi32>
        %broadcast_in_dim3A_236 = arith.constant 0 : i32
        %broadcast_in_dim3A_237 = vector.broadcast %broadcast_in_dim3A_236 : i32 to vector<16xi32>
        tpu.vector_store_idx %arg6[%broadcast_in_dim3A_237, %add3A_235], %get3A_221 masked %gt3A_223 : memref<2x8208xf32, #tpu.memory_space<vmem>>[vector<16xi32>, vector<16xi32>], vector<16xf32>, vector<16xi1>
        %add3A_238 = vector.broadcast %add3A_217 : i32 to vector<16xi32>
        %add3A_239 = arith.addi %iota3A, %add3A_238 : vector<16xi32>
        tpu.vector_store_idx %arg7[%broadcast_in_dim3A_237, %add3A_235], %add3A_239 masked %gt3A_223 : memref<2x8208xi32, #tpu.memory_space<vmem>>[vector<16xi32>, vector<16xi32>], vector<16xi32>, vector<16xi1>
        %all_reduce_population_count3A = tpu.all_reduce %gt3A_223 {dim = 0 : i64, kind = #tpu.reduction_kind<sum>} : vector<16xi1> -> vector<16xi32>
        %add3A_240 = arith.addi %scan3A_185, %all_reduce_population_count3A : vector<16xi32>
        %get3A_241 = arith.constant 1 : i32
        %get3A_242 = arith.index_cast %get3A_241 : i32 to index
        %get3A_243 = arith.index_cast %add3A_217 : i32 to index
        %get3A_244 = tpu.vector_load %arg4[%get3A_242, %get3A_243] {strides = array<i32>} : memref<2x8192xf32, #tpu.memory_space<vmem>>, vector<16xf32>,
        %gt3A_245 = vector.broadcast %max3A_69 : f32 to vector<16xf32>
        %gt3A_246 = arith.cmpf ogt, %get3A_244, %gt3A_245 : vector<16xf32>
        %jit3A_247 = arith.constant 1.000000e+00 : f32
        %jit3A_248 = arith.constant 0.000000e+00 : f32
        %broadcast_in_dim3A_249 = vector.broadcast %jit3A_247 : f32 to vector<16xf32>
        %broadcast_in_dim3A_250 = vector.broadcast %jit3A_248 : f32 to vector<16xf32>
        %select_n3A_251 = arith.select %gt3A_246, %broadcast_in_dim3A_249, %broadcast_in_dim3A_250 : vector<16xi1>, vector<16xf32>
        %broadcast_in_dim3A_252 = arith.constant true
        %broadcast_in_dim3A_253 = vector.broadcast %broadcast_in_dim3A_252 : i1 to vector<16xi1>
        %masked_cumsum3A_254 = tpu.scan <sum>, %select_n3A_251 masked %broadcast_in_dim3A_253 : vector<16xf32>, vector<16xi1> -> vector<16xf32>
        %convert_element_type3A_255 = arith.fptosi %masked_cumsum3A_254 : vector<16xf32> to vector<16xi32>
        %sub3A_256 = arith.constant 1 : i32
        %sub3A_257 = vector.broadcast %sub3A_256 : i32 to vector<16xi32>
        %sub3A_258 = arith.subi %convert_element_type3A_255, %sub3A_257 : vector<16xi32>
        %add3A_259 = arith.addi %sub3A_258, %scan3A_186 : vector<16xi32>
        %broadcast_in_dim3A_260 = arith.constant 1 : i32
        %broadcast_in_dim3A_261 = vector.broadcast %broadcast_in_dim3A_260 : i32 to vector<16xi32>
        tpu.vector_store_idx %arg6[%broadcast_in_dim3A_261, %add3A_259], %get3A_244 masked %gt3A_246 : memref<2x8208xf32, #tpu.memory_space<vmem>>[vector<16xi32>, vector<16xi32>], vector<16xf32>, vector<16xi1>
        %add3A_262 = vector.broadcast %add3A_217 : i32 to vector<16xi32>
        %add3A_263 = arith.addi %iota3A, %add3A_262 : vector<16xi32>
        tpu.vector_store_idx %arg7[%broadcast_in_dim3A_261, %add3A_259], %add3A_263 masked %gt3A_246 : memref<2x8208xi32, #tpu.memory_space<vmem>>[vector<16xi32>, vector<16xi32>], vector<16xi32>, vector<16xi1>
        %all_reduce_population_count3A_264 = tpu.all_reduce %gt3A_246 {dim = 0 : i64, kind = #tpu.reduction_kind<sum>} : vector<16xi1> -> vector<16xi32>
        %add3A_265 = arith.addi %scan3A_186, %all_reduce_population_count3A_264 : vector<16xi32>
        %mul3A_266 = arith.constant 128 : i32
        %mul3A_267 = arith.muli %scan3A_184, %mul3A_266 : i32
        %add3A_268 = arith.constant 16 : i32
        %add3A_269 = arith.addi %mul3A_267, %add3A_268 : i32
        %get3A_270 = arith.constant 0 : i32
        %get3A_271 = arith.index_cast %get3A_270 : i32 to index
        %get3A_272 = arith.index_cast %add3A_269 : i32 to index
        %get3A_273 = tpu.vector_load %arg4[%get3A_271, %get3A_272] {strides = array<i32>} : memref<2x8192xf32, #tpu.memory_space<vmem>>, vector<16xf32>,
        %gt3A_274 = vector.broadcast %max3A_43 : f32 to vector<16xf32>
        %gt3A_275 = arith.cmpf ogt, %get3A_273, %gt3A_274 : vector<16xf32>
        %jit3A_276 = arith.constant 1.000000e+00 : f32
        %jit3A_277 = arith.constant 0.000000e+00 : f32
        %broadcast_in_dim3A_278 = vector.broadcast %jit3A_276 : f32 to vector<16xf32>
        %broadcast_in_dim3A_279 = vector.broadcast %jit3A_277 : f32 to vector<16xf32>
        %select_n3A_280 = arith.select %gt3A_275, %broadcast_in_dim3A_278, %broadcast_in_dim3A_279 : vector<16xi1>, vector<16xf32>
        %broadcast_in_dim3A_281 = arith.constant true
        %broadcast_in_dim3A_282 = vector.broadcast %broadcast_in_dim3A_281 : i1 to vector<16xi1>
        %masked_cumsum3A_283 = tpu.scan <sum>, %select_n3A_280 masked %broadcast_in_dim3A_282 : vector<16xf32>, vector<16xi1> -> vector<16xf32>
        %convert_element_type3A_284 = arith.fptosi %masked_cumsum3A_283 : vector<16xf32> to vector<16xi32>
        %sub3A_285 = arith.constant 1 : i32
        %sub3A_286 = vector.broadcast %sub3A_285 : i32 to vector<16xi32>
        %sub3A_287 = arith.subi %convert_element_type3A_284, %sub3A_286 : vector<16xi32>
        %add3A_288 = arith.addi %sub3A_287, %add3A_240 : vector<16xi32>
        %broadcast_in_dim3A_289 = arith.constant 0 : i32
        %broadcast_in_dim3A_290 = vector.broadcast %broadcast_in_dim3A_289 : i32 to vector<16xi32>
        tpu.vector_store_idx %arg6[%broadcast_in_dim3A_290, %add3A_288], %get3A_273 masked %gt3A_275 : memref<2x8208xf32, #tpu.memory_space<vmem>>[vector<16xi32>, vector<16xi32>], vector<16xf32>, vector<16xi1>
        %add3A_291 = vector.broadcast %add3A_269 : i32 to vector<16xi32>
        %add3A_292 = arith.addi %iota3A, %add3A_291 : vector<16xi32>
        tpu.vector_store_idx %arg7[%broadcast_in_dim3A_290, %add3A_288], %add3A_292 masked %gt3A_275 : memref<2x8208xi32, #tpu.memory_space<vmem>>[vector<16xi32>, vector<16xi32>], vector<16xi32>, vector<16xi1>
        %all_reduce_population_count3A_293 = tpu.all_reduce %gt3A_275 {dim = 0 : i64, kind = #tpu.reduction_kind<sum>} : vector<16xi1> -> vector<16xi32>
        %add3A_294 = arith.addi %add3A_240, %all_reduce_population_count3A_293 : vector<16xi32>
        %get3A_295 = arith.constant 1 : i32
        %get3A_296 = arith.index_cast %get3A_295 : i32 to index
        %get3A_297 = arith.index_cast %add3A_269 : i32 to index
        %get3A_298 = tpu.vector_load %arg4[%get3A_296, %get3A_297] {strides = array<i32>} : memref<2x8192xf32, #tpu.memory_space<vmem>>, vector<16xf32>,
        %gt3A_299 = vector.broadcast %max3A_69 : f32 to vector<16xf32>
        %gt3A_300 = arith.cmpf ogt, %get3A_298, %gt3A_299 : vector<16xf32>
        %jit3A_301 = arith.constant 1.000000e+00 : f32
        %jit3A_302 = arith.constant 0.000000e+00 : f32
        %broadcast_in_dim3A_303 = vector.broadcast %jit3A_301 : f32 to vector<16xf32>
        %broadcast_in_dim3A_304 = vector.broadcast %jit3A_302 : f32 to vector<16xf32>
        %select_n3A_305 = arith.select %gt3A_300, %broadcast_in_dim3A_303, %broadcast_in_dim3A_304 : vector<16xi1>, vector<16xf32>
        %broadcast_in_dim3A_306 = arith.constant true
        %broadcast_in_dim3A_307 = vector.broadcast %broadcast_in_dim3A_306 : i1 to vector<16xi1>
        %masked_cumsum3A_308 = tpu.scan <sum>, %select_n3A_305 masked %broadcast_in_dim3A_307 : vector<16xf32>, vector<16xi1> -> vector<16xf32>
        %convert_element_type3A_309 = arith.fptosi %masked_cumsum3A_308 : vector<16xf32> to vector<16xi32>
        %sub3A_310 = arith.constant 1 : i32
        %sub3A_311 = vector.broadcast %sub3A_310 : i32 to vector<16xi32>
        %sub3A_312 = arith.subi %convert_element_type3A_309, %sub3A_311 : vector<16xi32>
        %add3A_313 = arith.addi %sub3A_312, %add3A_265 : vector<16xi32>
        %broadcast_in_dim3A_314 = arith.constant 1 : i32
        %broadcast_in_dim3A_315 = vector.broadcast %broadcast_in_dim3A_314 : i32 to vector<16xi32>
        tpu.vector_store_idx %arg6[%broadcast_in_dim3A_315, %add3A_313], %get3A_298 masked %gt3A_300 : memref<2x8208xf32, #tpu.memory_space<vmem>>[vector<16xi32>, vector<16xi32>], vector<16xf32>, vector<16xi1>
        %add3A_316 = vector.broadcast %add3A_269 : i32 to vector<16xi32>
        %add3A_317 = arith.addi %iota3A, %add3A_316 : vector<16xi32>
        tpu.vector_store_idx %arg7[%broadcast_in_dim3A_315, %add3A_313], %add3A_317 masked %gt3A_300 : memref<2x8208xi32, #tpu.memory_space<vmem>>[vector<16xi32>, vector<16xi32>], vector<16xi32>, vector<16xi1>
        %all_reduce_population_count3A_318 = tpu.all_reduce %gt3A_300 {dim = 0 : i64, kind = #tpu.reduction_kind<sum>} : vector<16xi1> -> vector<16xi32>
        %add3A_319 = arith.addi %add3A_265, %all_reduce_population_count3A_318 : vector<16xi32>
        %mul3A_320 = arith.constant 128 : i32
        %mul3A_321 = arith.muli %scan3A_184, %mul3A_320 : i32
        %add3A_322 = arith.constant 32 : i32
        %add3A_323 = arith.addi %mul3A_321, %add3A_322 : i32
        %get3A_324 = arith.constant 0 : i32
        %get3A_325 = arith.index_cast %get3A_324 : i32 to index
        %get3A_326 = arith.index_cast %add3A_323 : i32 to index
        %get3A_327 = tpu.vector_load %arg4[%get3A_325, %get3A_326] {strides = array<i32>} : memref<2x8192xf32, #tpu.memory_space<vmem>>, vector<16xf32>,
        %gt3A_328 = vector.broadcast %max3A_43 : f32 to vector<16xf32>
        %gt3A_329 = arith.cmpf ogt, %get3A_327, %gt3A_328 : vector<16xf32>
        %jit3A_330 = arith.constant 1.000000e+00 : f32
        %jit3A_331 = arith.constant 0.000000e+00 : f32
        %broadcast_in_dim3A_332 = vector.broadcast %jit3A_330 : f32 to vector<16xf32>
        %broadcast_in_dim3A_333 = vector.broadcast %jit3A_331 : f32 to vector<16xf32>
        %select_n3A_334 = arith.select %gt3A_329, %broadcast_in_dim3A_332, %broadcast_in_dim3A_333 : vector<16xi1>, vector<16xf32>
        %broadcast_in_dim3A_335 = arith.constant true
        %broadcast_in_dim3A_336 = vector.broadcast %broadcast_in_dim3A_335 : i1 to vector<16xi1>
        %masked_cumsum3A_337 = tpu.scan <sum>, %select_n3A_334 masked %broadcast_in_dim3A_336 : vector<16xf32>, vector<16xi1> -> vector<16xf32>
        %convert_element_type3A_338 = arith.fptosi %masked_cumsum3A_337 : vector<16xf32> to vector<16xi32>
        %sub3A_339 = arith.constant 1 : i32
        %sub3A_340 = vector.broadcast %sub3A_339 : i32 to vector<16xi32>
        %sub3A_341 = arith.subi %convert_element_type3A_338, %sub3A_340 : vector<16xi32>
        %add3A_342 = arith.addi %sub3A_341, %add3A_294 : vector<16xi32>
        %broadcast_in_dim3A_343 = arith.constant 0 : i32
        %broadcast_in_dim3A_344 = vector.broadcast %broadcast_in_dim3A_343 : i32 to vector<16xi32>
        tpu.vector_store_idx %arg6[%broadcast_in_dim3A_344, %add3A_342], %get3A_327 masked %gt3A_329 : memref<2x8208xf32, #tpu.memory_space<vmem>>[vector<16xi32>, vector<16xi32>], vector<16xf32>, vector<16xi1>
        %add3A_345 = vector.broadcast %add3A_323 : i32 to vector<16xi32>
        %add3A_346 = arith.addi %iota3A, %add3A_345 : vector<16xi32>
        tpu.vector_store_idx %arg7[%broadcast_in_dim3A_344, %add3A_342], %add3A_346 masked %gt3A_329 : memref<2x8208xi32, #tpu.memory_space<vmem>>[vector<16xi32>, vector<16xi32>], vector<16xi32>, vector<16xi1>
        %all_reduce_population_count3A_347 = tpu.all_reduce %gt3A_329 {dim = 0 : i64, kind = #tpu.reduction_kind<sum>} : vector<16xi1> -> vector<16xi32>
        %add3A_348 = arith.addi %add3A_294, %all_reduce_population_count3A_347 : vector<16xi32>
        %get3A_349 = arith.constant 1 : i32
        %get3A_350 = arith.index_cast %get3A_349 : i32 to index
        %get3A_351 = arith.index_cast %add3A_323 : i32 to index
        %get3A_352 = tpu.vector_load %arg4[%get3A_350, %get3A_351] {strides = array<i32>} : memref<2x8192xf32, #tpu.memory_space<vmem>>, vector<16xf32>,
        %gt3A_353 = vector.broadcast %max3A_69 : f32 to vector<16xf32>
        %gt3A_354 = arith.cmpf ogt, %get3A_352, %gt3A_353 : vector<16xf32>
        %jit3A_355 = arith.constant 1.000000e+00 : f32
        %jit3A_356 = arith.constant 0.000000e+00 : f32
        %broadcast_in_dim3A_357 = vector.broadcast %jit3A_355 : f32 to vector<16xf32>
        %broadcast_in_dim3A_358 = vector.broadcast %jit3A_356 : f32 to vector<16xf32>
        %select_n3A_359 = arith.select %gt3A_354, %broadcast_in_dim3A_357, %broadcast_in_dim3A_358 : vector<16xi1>, vector<16xf32>
        %broadcast_in_dim3A_360 = arith.constant true
        %broadcast_in_dim3A_361 = vector.broadcast %broadcast_in_dim3A_360 : i1 to vector<16xi1>
        %masked_cumsum3A_362 = tpu.scan <sum>, %select_n3A_359 masked %broadcast_in_dim3A_361 : vector<16xf32>, vector<16xi1> -> vector<16xf32>
        %convert_element_type3A_363 = arith.fptosi %masked_cumsum3A_362 : vector<16xf32> to vector<16xi32>
        %sub3A_364 = arith.constant 1 : i32
        %sub3A_365 = vector.broadcast %sub3A_364 : i32 to vector<16xi32>
        %sub3A_366 = arith.subi %convert_element_type3A_363, %sub3A_365 : vector<16xi32>
        %add3A_367 = arith.addi %sub3A_366, %add3A_319 : vector<16xi32>
        %broadcast_in_dim3A_368 = arith.constant 1 : i32
        %broadcast_in_dim3A_369 = vector.broadcast %broadcast_in_dim3A_368 : i32 to vector<16xi32>
        tpu.vector_store_idx %arg6[%broadcast_in_dim3A_369, %add3A_367], %get3A_352 masked %gt3A_354 : memref<2x8208xf32, #tpu.memory_space<vmem>>[vector<16xi32>, vector<16xi32>], vector<16xf32>, vector<16xi1>
        %add3A_370 = vector.broadcast %add3A_323 : i32 to vector<16xi32>
        %add3A_371 = arith.addi %iota3A, %add3A_370 : vector<16xi32>
        tpu.vector_store_idx %arg7[%broadcast_in_dim3A_369, %add3A_367], %add3A_371 masked %gt3A_354 : memref<2x8208xi32, #tpu.memory_space<vmem>>[vector<16xi32>, vector<16xi32>], vector<16xi32>, vector<16xi1>
        %all_reduce_population_count3A_372 = tpu.all_reduce %gt3A_354 {dim = 0 : i64, kind = #tpu.reduction_kind<sum>} : vector<16xi1> -> vector<16xi32>
        %add3A_373 = arith.addi %add3A_319, %all_reduce_population_count3A_372 : vector<16xi32>
        %mul3A_374 = arith.constant 128 : i32
        %mul3A_375 = arith.muli %scan3A_184, %mul3A_374 : i32
        %add3A_376 = arith.constant 48 : i32
        %add3A_377 = arith.addi %mul3A_375, %add3A_376 : i32
        %get3A_378 = arith.constant 0 : i32
        %get3A_379 = arith.index_cast %get3A_378 : i32 to index
        %get3A_380 = arith.index_cast %add3A_377 : i32 to index
        %get3A_381 = tpu.vector_load %arg4[%get3A_379, %get3A_380] {strides = array<i32>} : memref<2x8192xf32, #tpu.memory_space<vmem>>, vector<16xf32>,
        %gt3A_382 = vector.broadcast %max3A_43 : f32 to vector<16xf32>
        %gt3A_383 = arith.cmpf ogt, %get3A_381, %gt3A_382 : vector<16xf32>
        %jit3A_384 = arith.constant 1.000000e+00 : f32
        %jit3A_385 = arith.constant 0.000000e+00 : f32
        %broadcast_in_dim3A_386 = vector.broadcast %jit3A_384 : f32 to vector<16xf32>
        %broadcast_in_dim3A_387 = vector.broadcast %jit3A_385 : f32 to vector<16xf32>
        %select_n3A_388 = arith.select %gt3A_383, %broadcast_in_dim3A_386, %broadcast_in_dim3A_387 : vector<16xi1>, vector<16xf32>
        %broadcast_in_dim3A_389 = arith.constant true
        %broadcast_in_dim3A_390 = vector.broadcast %broadcast_in_dim3A_389 : i1 to vector<16xi1>
        %masked_cumsum3A_391 = tpu.scan <sum>, %select_n3A_388 masked %broadcast_in_dim3A_390 : vector<16xf32>, vector<16xi1> -> vector<16xf32>
        %convert_element_type3A_392 = arith.fptosi %masked_cumsum3A_391 : vector<16xf32> to vector<16xi32>
        %sub3A_393 = arith.constant 1 : i32
        %sub3A_394 = vector.broadcast %sub3A_393 : i32 to vector<16xi32>
        %sub3A_395 = arith.subi %convert_element_type3A_392, %sub3A_394 : vector<16xi32>
        %add3A_396 = arith.addi %sub3A_395, %add3A_348 : vector<16xi32>
        %broadcast_in_dim3A_397 = arith.constant 0 : i32
        %broadcast_in_dim3A_398 = vector.broadcast %broadcast_in_dim3A_397 : i32 to vector<16xi32>
        tpu.vector_store_idx %arg6[%broadcast_in_dim3A_398, %add3A_396], %get3A_381 masked %gt3A_383 : memref<2x8208xf32, #tpu.memory_space<vmem>>[vector<16xi32>, vector<16xi32>], vector<16xf32>, vector<16xi1>
        %add3A_399 = vector.broadcast %add3A_377 : i32 to vector<16xi32>
        %add3A_400 = arith.addi %iota3A, %add3A_399 : vector<16xi32>
        tpu.vector_store_idx %arg7[%broadcast_in_dim3A_398, %add3A_396], %add3A_400 masked %gt3A_383 : memref<2x8208xi32, #tpu.memory_space<vmem>>[vector<16xi32>, vector<16xi32>], vector<16xi32>, vector<16xi1>
        %all_reduce_population_count3A_401 = tpu.all_reduce %gt3A_383 {dim = 0 : i64, kind = #tpu.reduction_kind<sum>} : vector<16xi1> -> vector<16xi32>
        %add3A_402 = arith.addi %add3A_348, %all_reduce_population_count3A_401 : vector<16xi32>
        %get3A_403 = arith.constant 1 : i32
        %get3A_404 = arith.index_cast %get3A_403 : i32 to index
        %get3A_405 = arith.index_cast %add3A_377 : i32 to index
        %get3A_406 = tpu.vector_load %arg4[%get3A_404, %get3A_405] {strides = array<i32>} : memref<2x8192xf32, #tpu.memory_space<vmem>>, vector<16xf32>,
        %gt3A_407 = vector.broadcast %max3A_69 : f32 to vector<16xf32>
        %gt3A_408 = arith.cmpf ogt, %get3A_406, %gt3A_407 : vector<16xf32>
        %jit3A_409 = arith.constant 1.000000e+00 : f32
        %jit3A_410 = arith.constant 0.000000e+00 : f32
        %broadcast_in_dim3A_411 = vector.broadcast %jit3A_409 : f32 to vector<16xf32>
        %broadcast_in_dim3A_412 = vector.broadcast %jit3A_410 : f32 to vector<16xf32>
        %select_n3A_413 = arith.select %gt3A_408, %broadcast_in_dim3A_411, %broadcast_in_dim3A_412 : vector<16xi1>, vector<16xf32>
        %broadcast_in_dim3A_414 = arith.constant true
        %broadcast_in_dim3A_415 = vector.broadcast %broadcast_in_dim3A_414 : i1 to vector<16xi1>
        %masked_cumsum3A_416 = tpu.scan <sum>, %select_n3A_413 masked %broadcast_in_dim3A_415 : vector<16xf32>, vector<16xi1> -> vector<16xf32>
        %convert_element_type3A_417 = arith.fptosi %masked_cumsum3A_416 : vector<16xf32> to vector<16xi32>
        %sub3A_418 = arith.constant 1 : i32
        %sub3A_419 = vector.broadcast %sub3A_418 : i32 to vector<16xi32>
        %sub3A_420 = arith.subi %convert_element_type3A_417, %sub3A_419 : vector<16xi32>
        %add3A_421 = arith.addi %sub3A_420, %add3A_373 : vector<16xi32>
        %broadcast_in_dim3A_422 = arith.constant 1 : i32
        %broadcast_in_dim3A_423 = vector.broadcast %broadcast_in_dim3A_422 : i32 to vector<16xi32>
        tpu.vector_store_idx %arg6[%broadcast_in_dim3A_423, %add3A_421], %get3A_406 masked %gt3A_408 : memref<2x8208xf32, #tpu.memory_space<vmem>>[vector<16xi32>, vector<16xi32>], vector<16xf32>, vector<16xi1>
        %add3A_424 = vector.broadcast %add3A_377 : i32 to vector<16xi32>
        %add3A_425 = arith.addi %iota3A, %add3A_424 : vector<16xi32>
        tpu.vector_store_idx %arg7[%broadcast_in_dim3A_423, %add3A_421], %add3A_425 masked %gt3A_408 : memref<2x8208xi32, #tpu.memory_space<vmem>>[vector<16xi32>, vector<16xi32>], vector<16xi32>, vector<16xi1>
        %all_reduce_population_count3A_426 = tpu.all_reduce %gt3A_408 {dim = 0 : i64, kind = #tpu.reduction_kind<sum>} : vector<16xi1> -> vector<16xi32>
        %add3A_427 = arith.addi %add3A_373, %all_reduce_population_count3A_426 : vector<16xi32>
        %mul3A_428 = arith.constant 128 : i32
        %mul3A_429 = arith.muli %scan3A_184, %mul3A_428 : i32
        %add3A_430 = arith.constant 64 : i32
        %add3A_431 = arith.addi %mul3A_429, %add3A_430 : i32
        %get3A_432 = arith.constant 0 : i32
        %get3A_433 = arith.index_cast %get3A_432 : i32 to index
        %get3A_434 = arith.index_cast %add3A_431 : i32 to index
        %get3A_435 = tpu.vector_load %arg4[%get3A_433, %get3A_434] {strides = array<i32>} : memref<2x8192xf32, #tpu.memory_space<vmem>>, vector<16xf32>,
        %gt3A_436 = vector.broadcast %max3A_43 : f32 to vector<16xf32>
        %gt3A_437 = arith.cmpf ogt, %get3A_435, %gt3A_436 : vector<16xf32>
        %jit3A_438 = arith.constant 1.000000e+00 : f32
        %jit3A_439 = arith.constant 0.000000e+00 : f32
        %broadcast_in_dim3A_440 = vector.broadcast %jit3A_438 : f32 to vector<16xf32>
        %broadcast_in_dim3A_441 = vector.broadcast %jit3A_439 : f32 to vector<16xf32>
        %select_n3A_442 = arith.select %gt3A_437, %broadcast_in_dim3A_440, %broadcast_in_dim3A_441 : vector<16xi1>, vector<16xf32>
        %broadcast_in_dim3A_443 = arith.constant true
        %broadcast_in_dim3A_444 = vector.broadcast %broadcast_in_dim3A_443 : i1 to vector<16xi1>
        %masked_cumsum3A_445 = tpu.scan <sum>, %select_n3A_442 masked %broadcast_in_dim3A_444 : vector<16xf32>, vector<16xi1> -> vector<16xf32>
        %convert_element_type3A_446 = arith.fptosi %masked_cumsum3A_445 : vector<16xf32> to vector<16xi32>
        %sub3A_447 = arith.constant 1 : i32
        %sub3A_448 = vector.broadcast %sub3A_447 : i32 to vector<16xi32>
        %sub3A_449 = arith.subi %convert_element_type3A_446, %sub3A_448 : vector<16xi32>
        %add3A_450 = arith.addi %sub3A_449, %add3A_402 : vector<16xi32>
        %broadcast_in_dim3A_451 = arith.constant 0 : i32
        %broadcast_in_dim3A_452 = vector.broadcast %broadcast_in_dim3A_451 : i32 to vector<16xi32>
        tpu.vector_store_idx %arg6[%broadcast_in_dim3A_452, %add3A_450], %get3A_435 masked %gt3A_437 : memref<2x8208xf32, #tpu.memory_space<vmem>>[vector<16xi32>, vector<16xi32>], vector<16xf32>, vector<16xi1>
        %add3A_453 = vector.broadcast %add3A_431 : i32 to vector<16xi32>
        %add3A_454 = arith.addi %iota3A, %add3A_453 : vector<16xi32>
        tpu.vector_store_idx %arg7[%broadcast_in_dim3A_452, %add3A_450], %add3A_454 masked %gt3A_437 : memref<2x8208xi32, #tpu.memory_space<vmem>>[vector<16xi32>, vector<16xi32>], vector<16xi32>, vector<16xi1>
        %all_reduce_population_count3A_455 = tpu.all_reduce %gt3A_437 {dim = 0 : i64, kind = #tpu.reduction_kind<sum>} : vector<16xi1> -> vector<16xi32>
        %add3A_456 = arith.addi %add3A_402, %all_reduce_population_count3A_455 : vector<16xi32>
        %get3A_457 = arith.constant 1 : i32
        %get3A_458 = arith.index_cast %get3A_457 : i32 to index
        %get3A_459 = arith.index_cast %add3A_431 : i32 to index
        %get3A_460 = tpu.vector_load %arg4[%get3A_458, %get3A_459] {strides = array<i32>} : memref<2x8192xf32, #tpu.memory_space<vmem>>, vector<16xf32>,
        %gt3A_461 = vector.broadcast %max3A_69 : f32 to vector<16xf32>
        %gt3A_462 = arith.cmpf ogt, %get3A_460, %gt3A_461 : vector<16xf32>
        %jit3A_463 = arith.constant 1.000000e+00 : f32
        %jit3A_464 = arith.constant 0.000000e+00 : f32
        %broadcast_in_dim3A_465 = vector.broadcast %jit3A_463 : f32 to vector<16xf32>
        %broadcast_in_dim3A_466 = vector.broadcast %jit3A_464 : f32 to vector<16xf32>
        %select_n3A_467 = arith.select %gt3A_462, %broadcast_in_dim3A_465, %broadcast_in_dim3A_466 : vector<16xi1>, vector<16xf32>
        %broadcast_in_dim3A_468 = arith.constant true
        %broadcast_in_dim3A_469 = vector.broadcast %broadcast_in_dim3A_468 : i1 to vector<16xi1>
        %masked_cumsum3A_470 = tpu.scan <sum>, %select_n3A_467 masked %broadcast_in_dim3A_469 : vector<16xf32>, vector<16xi1> -> vector<16xf32>
        %convert_element_type3A_471 = arith.fptosi %masked_cumsum3A_470 : vector<16xf32> to vector<16xi32>
        %sub3A_472 = arith.constant 1 : i32
        %sub3A_473 = vector.broadcast %sub3A_472 : i32 to vector<16xi32>
        %sub3A_474 = arith.subi %convert_element_type3A_471, %sub3A_473 : vector<16xi32>
        %add3A_475 = arith.addi %sub3A_474, %add3A_427 : vector<16xi32>
        %broadcast_in_dim3A_476 = arith.constant 1 : i32
        %broadcast_in_dim3A_477 = vector.broadcast %broadcast_in_dim3A_476 : i32 to vector<16xi32>
        tpu.vector_store_idx %arg6[%broadcast_in_dim3A_477, %add3A_475], %get3A_460 masked %gt3A_462 : memref<2x8208xf32, #tpu.memory_space<vmem>>[vector<16xi32>, vector<16xi32>], vector<16xf32>, vector<16xi1>
        %add3A_478 = vector.broadcast %add3A_431 : i32 to vector<16xi32>
        %add3A_479 = arith.addi %iota3A, %add3A_478 : vector<16xi32>
        tpu.vector_store_idx %arg7[%broadcast_in_dim3A_477, %add3A_475], %add3A_479 masked %gt3A_462 : memref<2x8208xi32, #tpu.memory_space<vmem>>[vector<16xi32>, vector<16xi32>], vector<16xi32>, vector<16xi1>
        %all_reduce_population_count3A_480 = tpu.all_reduce %gt3A_462 {dim = 0 : i64, kind = #tpu.reduction_kind<sum>} : vector<16xi1> -> vector<16xi32>
        %add3A_481 = arith.addi %add3A_427, %all_reduce_population_count3A_480 : vector<16xi32>
        %mul3A_482 = arith.constant 128 : i32
        %mul3A_483 = arith.muli %scan3A_184, %mul3A_482 : i32
        %add3A_484 = arith.constant 80 : i32
        %add3A_485 = arith.addi %mul3A_483, %add3A_484 : i32
        %get3A_486 = arith.constant 0 : i32
        %get3A_487 = arith.index_cast %get3A_486 : i32 to index
        %get3A_488 = arith.index_cast %add3A_485 : i32 to index
        %get3A_489 = tpu.vector_load %arg4[%get3A_487, %get3A_488] {strides = array<i32>} : memref<2x8192xf32, #tpu.memory_space<vmem>>, vector<16xf32>,
        %gt3A_490 = vector.broadcast %max3A_43 : f32 to vector<16xf32>
        %gt3A_491 = arith.cmpf ogt, %get3A_489, %gt3A_490 : vector<16xf32>
        %jit3A_492 = arith.constant 1.000000e+00 : f32
        %jit3A_493 = arith.constant 0.000000e+00 : f32
        %broadcast_in_dim3A_494 = vector.broadcast %jit3A_492 : f32 to vector<16xf32>
        %broadcast_in_dim3A_495 = vector.broadcast %jit3A_493 : f32 to vector<16xf32>
        %select_n3A_496 = arith.select %gt3A_491, %broadcast_in_dim3A_494, %broadcast_in_dim3A_495 : vector<16xi1>, vector<16xf32>
        %broadcast_in_dim3A_497 = arith.constant true
        %broadcast_in_dim3A_498 = vector.broadcast %broadcast_in_dim3A_497 : i1 to vector<16xi1>
        %masked_cumsum3A_499 = tpu.scan <sum>, %select_n3A_496 masked %broadcast_in_dim3A_498 : vector<16xf32>, vector<16xi1> -> vector<16xf32>
        %convert_element_type3A_500 = arith.fptosi %masked_cumsum3A_499 : vector<16xf32> to vector<16xi32>
        %sub3A_501 = arith.constant 1 : i32
        %sub3A_502 = vector.broadcast %sub3A_501 : i32 to vector<16xi32>
        %sub3A_503 = arith.subi %convert_element_type3A_500, %sub3A_502 : vector<16xi32>
        %add3A_504 = arith.addi %sub3A_503, %add3A_456 : vector<16xi32>
        %broadcast_in_dim3A_505 = arith.constant 0 : i32
        %broadcast_in_dim3A_506 = vector.broadcast %broadcast_in_dim3A_505 : i32 to vector<16xi32>
        tpu.vector_store_idx %arg6[%broadcast_in_dim3A_506, %add3A_504], %get3A_489 masked %gt3A_491 : memref<2x8208xf32, #tpu.memory_space<vmem>>[vector<16xi32>, vector<16xi32>], vector<16xf32>, vector<16xi1>
        %add3A_507 = vector.broadcast %add3A_485 : i32 to vector<16xi32>
        %add3A_508 = arith.addi %iota3A, %add3A_507 : vector<16xi32>
        tpu.vector_store_idx %arg7[%broadcast_in_dim3A_506, %add3A_504], %add3A_508 masked %gt3A_491 : memref<2x8208xi32, #tpu.memory_space<vmem>>[vector<16xi32>, vector<16xi32>], vector<16xi32>, vector<16xi1>
        %all_reduce_population_count3A_509 = tpu.all_reduce %gt3A_491 {dim = 0 : i64, kind = #tpu.reduction_kind<sum>} : vector<16xi1> -> vector<16xi32>
        %add3A_510 = arith.addi %add3A_456, %all_reduce_population_count3A_509 : vector<16xi32>
        %get3A_511 = arith.constant 1 : i32
        %get3A_512 = arith.index_cast %get3A_511 : i32 to index
        %get3A_513 = arith.index_cast %add3A_485 : i32 to index
        %get3A_514 = tpu.vector_load %arg4[%get3A_512, %get3A_513] {strides = array<i32>} : memref<2x8192xf32, #tpu.memory_space<vmem>>, vector<16xf32>,
        %gt3A_515 = vector.broadcast %max3A_69 : f32 to vector<16xf32>
        %gt3A_516 = arith.cmpf ogt, %get3A_514, %gt3A_515 : vector<16xf32>
        %jit3A_517 = arith.constant 1.000000e+00 : f32
        %jit3A_518 = arith.constant 0.000000e+00 : f32
        %broadcast_in_dim3A_519 = vector.broadcast %jit3A_517 : f32 to vector<16xf32>
        %broadcast_in_dim3A_520 = vector.broadcast %jit3A_518 : f32 to vector<16xf32>
        %select_n3A_521 = arith.select %gt3A_516, %broadcast_in_dim3A_519, %broadcast_in_dim3A_520 : vector<16xi1>, vector<16xf32>
        %broadcast_in_dim3A_522 = arith.constant true
        %broadcast_in_dim3A_523 = vector.broadcast %broadcast_in_dim3A_522 : i1 to vector<16xi1>
        %masked_cumsum3A_524 = tpu.scan <sum>, %select_n3A_521 masked %broadcast_in_dim3A_523 : vector<16xf32>, vector<16xi1> -> vector<16xf32>
        %convert_element_type3A_525 = arith.fptosi %masked_cumsum3A_524 : vector<16xf32> to vector<16xi32>
        %sub3A_526 = arith.constant 1 : i32
        %sub3A_527 = vector.broadcast %sub3A_526 : i32 to vector<16xi32>
        %sub3A_528 = arith.subi %convert_element_type3A_525, %sub3A_527 : vector<16xi32>
        %add3A_529 = arith.addi %sub3A_528, %add3A_481 : vector<16xi32>
        %broadcast_in_dim3A_530 = arith.constant 1 : i32
        %broadcast_in_dim3A_531 = vector.broadcast %broadcast_in_dim3A_530 : i32 to vector<16xi32>
        tpu.vector_store_idx %arg6[%broadcast_in_dim3A_531, %add3A_529], %get3A_514 masked %gt3A_516 : memref<2x8208xf32, #tpu.memory_space<vmem>>[vector<16xi32>, vector<16xi32>], vector<16xf32>, vector<16xi1>
        %add3A_532 = vector.broadcast %add3A_485 : i32 to vector<16xi32>
        %add3A_533 = arith.addi %iota3A, %add3A_532 : vector<16xi32>
        tpu.vector_store_idx %arg7[%broadcast_in_dim3A_531, %add3A_529], %add3A_533 masked %gt3A_516 : memref<2x8208xi32, #tpu.memory_space<vmem>>[vector<16xi32>, vector<16xi32>], vector<16xi32>, vector<16xi1>
        %all_reduce_population_count3A_534 = tpu.all_reduce %gt3A_516 {dim = 0 : i64, kind = #tpu.reduction_kind<sum>} : vector<16xi1> -> vector<16xi32>
        %add3A_535 = arith.addi %add3A_481, %all_reduce_population_count3A_534 : vector<16xi32>
        %mul3A_536 = arith.constant 128 : i32
        %mul3A_537 = arith.muli %scan3A_184, %mul3A_536 : i32
        %add3A_538 = arith.constant 96 : i32
        %add3A_539 = arith.addi %mul3A_537, %add3A_538 : i32
        %get3A_540 = arith.constant 0 : i32
        %get3A_541 = arith.index_cast %get3A_540 : i32 to index
        %get3A_542 = arith.index_cast %add3A_539 : i32 to index
        %get3A_543 = tpu.vector_load %arg4[%get3A_541, %get3A_542] {strides = array<i32>} : memref<2x8192xf32, #tpu.memory_space<vmem>>, vector<16xf32>,
        %gt3A_544 = vector.broadcast %max3A_43 : f32 to vector<16xf32>
        %gt3A_545 = arith.cmpf ogt, %get3A_543, %gt3A_544 : vector<16xf32>
        %jit3A_546 = arith.constant 1.000000e+00 : f32
        %jit3A_547 = arith.constant 0.000000e+00 : f32
        %broadcast_in_dim3A_548 = vector.broadcast %jit3A_546 : f32 to vector<16xf32>
        %broadcast_in_dim3A_549 = vector.broadcast %jit3A_547 : f32 to vector<16xf32>
        %select_n3A_550 = arith.select %gt3A_545, %broadcast_in_dim3A_548, %broadcast_in_dim3A_549 : vector<16xi1>, vector<16xf32>
        %broadcast_in_dim3A_551 = arith.constant true
        %broadcast_in_dim3A_552 = vector.broadcast %broadcast_in_dim3A_551 : i1 to vector<16xi1>
        %masked_cumsum3A_553 = tpu.scan <sum>, %select_n3A_550 masked %broadcast_in_dim3A_552 : vector<16xf32>, vector<16xi1> -> vector<16xf32>
        %convert_element_type3A_554 = arith.fptosi %masked_cumsum3A_553 : vector<16xf32> to vector<16xi32>
        %sub3A_555 = arith.constant 1 : i32
        %sub3A_556 = vector.broadcast %sub3A_555 : i32 to vector<16xi32>
        %sub3A_557 = arith.subi %convert_element_type3A_554, %sub3A_556 : vector<16xi32>
        %add3A_558 = arith.addi %sub3A_557, %add3A_510 : vector<16xi32>
        %broadcast_in_dim3A_559 = arith.constant 0 : i32
        %broadcast_in_dim3A_560 = vector.broadcast %broadcast_in_dim3A_559 : i32 to vector<16xi32>
        tpu.vector_store_idx %arg6[%broadcast_in_dim3A_560, %add3A_558], %get3A_543 masked %gt3A_545 : memref<2x8208xf32, #tpu.memory_space<vmem>>[vector<16xi32>, vector<16xi32>], vector<16xf32>, vector<16xi1>
        %add3A_561 = vector.broadcast %add3A_539 : i32 to vector<16xi32>
        %add3A_562 = arith.addi %iota3A, %add3A_561 : vector<16xi32>
        tpu.vector_store_idx %arg7[%broadcast_in_dim3A_560, %add3A_558], %add3A_562 masked %gt3A_545 : memref<2x8208xi32, #tpu.memory_space<vmem>>[vector<16xi32>, vector<16xi32>], vector<16xi32>, vector<16xi1>
        %all_reduce_population_count3A_563 = tpu.all_reduce %gt3A_545 {dim = 0 : i64, kind = #tpu.reduction_kind<sum>} : vector<16xi1> -> vector<16xi32>
        %add3A_564 = arith.addi %add3A_510, %all_reduce_population_count3A_563 : vector<16xi32>
        %get3A_565 = arith.constant 1 : i32
        %get3A_566 = arith.index_cast %get3A_565 : i32 to index
        %get3A_567 = arith.index_cast %add3A_539 : i32 to index
        %get3A_568 = tpu.vector_load %arg4[%get3A_566, %get3A_567] {strides = array<i32>} : memref<2x8192xf32, #tpu.memory_space<vmem>>, vector<16xf32>,
        %gt3A_569 = vector.broadcast %max3A_69 : f32 to vector<16xf32>
        %gt3A_570 = arith.cmpf ogt, %get3A_568, %gt3A_569 : vector<16xf32>
        %jit3A_571 = arith.constant 1.000000e+00 : f32
        %jit3A_572 = arith.constant 0.000000e+00 : f32
        %broadcast_in_dim3A_573 = vector.broadcast %jit3A_571 : f32 to vector<16xf32>
        %broadcast_in_dim3A_574 = vector.broadcast %jit3A_572 : f32 to vector<16xf32>
        %select_n3A_575 = arith.select %gt3A_570, %broadcast_in_dim3A_573, %broadcast_in_dim3A_574 : vector<16xi1>, vector<16xf32>
        %broadcast_in_dim3A_576 = arith.constant true
        %broadcast_in_dim3A_577 = vector.broadcast %broadcast_in_dim3A_576 : i1 to vector<16xi1>
        %masked_cumsum3A_578 = tpu.scan <sum>, %select_n3A_575 masked %broadcast_in_dim3A_577 : vector<16xf32>, vector<16xi1> -> vector<16xf32>
        %convert_element_type3A_579 = arith.fptosi %masked_cumsum3A_578 : vector<16xf32> to vector<16xi32>
        %sub3A_580 = arith.constant 1 : i32
        %sub3A_581 = vector.broadcast %sub3A_580 : i32 to vector<16xi32>
        %sub3A_582 = arith.subi %convert_element_type3A_579, %sub3A_581 : vector<16xi32>
        %add3A_583 = arith.addi %sub3A_582, %add3A_535 : vector<16xi32>
        %broadcast_in_dim3A_584 = arith.constant 1 : i32
        %broadcast_in_dim3A_585 = vector.broadcast %broadcast_in_dim3A_584 : i32 to vector<16xi32>
        tpu.vector_store_idx %arg6[%broadcast_in_dim3A_585, %add3A_583], %get3A_568 masked %gt3A_570 : memref<2x8208xf32, #tpu.memory_space<vmem>>[vector<16xi32>, vector<16xi32>], vector<16xf32>, vector<16xi1>
        %add3A_586 = vector.broadcast %add3A_539 : i32 to vector<16xi32>
        %add3A_587 = arith.addi %iota3A, %add3A_586 : vector<16xi32>
        tpu.vector_store_idx %arg7[%broadcast_in_dim3A_585, %add3A_583], %add3A_587 masked %gt3A_570 : memref<2x8208xi32, #tpu.memory_space<vmem>>[vector<16xi32>, vector<16xi32>], vector<16xi32>, vector<16xi1>
        %all_reduce_population_count3A_588 = tpu.all_reduce %gt3A_570 {dim = 0 : i64, kind = #tpu.reduction_kind<sum>} : vector<16xi1> -> vector<16xi32>
        %add3A_589 = arith.addi %add3A_535, %all_reduce_population_count3A_588 : vector<16xi32>
        %mul3A_590 = arith.constant 128 : i32
        %mul3A_591 = arith.muli %scan3A_184, %mul3A_590 : i32
        %add3A_592 = arith.constant 112 : i32
        %add3A_593 = arith.addi %mul3A_591, %add3A_592 : i32
        %get3A_594 = arith.constant 0 : i32
        %get3A_595 = arith.index_cast %get3A_594 : i32 to index
        %get3A_596 = arith.index_cast %add3A_593 : i32 to index
        %get3A_597 = tpu.vector_load %arg4[%get3A_595, %get3A_596] {strides = array<i32>} : memref<2x8192xf32, #tpu.memory_space<vmem>>, vector<16xf32>,
        %gt3A_598 = vector.broadcast %max3A_43 : f32 to vector<16xf32>
        %gt3A_599 = arith.cmpf ogt, %get3A_597, %gt3A_598 : vector<16xf32>
        %jit3A_600 = arith.constant 1.000000e+00 : f32
        %jit3A_601 = arith.constant 0.000000e+00 : f32
        %broadcast_in_dim3A_602 = vector.broadcast %jit3A_600 : f32 to vector<16xf32>
        %broadcast_in_dim3A_603 = vector.broadcast %jit3A_601 : f32 to vector<16xf32>
        %select_n3A_604 = arith.select %gt3A_599, %broadcast_in_dim3A_602, %broadcast_in_dim3A_603 : vector<16xi1>, vector<16xf32>
        %broadcast_in_dim3A_605 = arith.constant true
        %broadcast_in_dim3A_606 = vector.broadcast %broadcast_in_dim3A_605 : i1 to vector<16xi1>
        %masked_cumsum3A_607 = tpu.scan <sum>, %select_n3A_604 masked %broadcast_in_dim3A_606 : vector<16xf32>, vector<16xi1> -> vector<16xf32>
        %convert_element_type3A_608 = arith.fptosi %masked_cumsum3A_607 : vector<16xf32> to vector<16xi32>
        %sub3A_609 = arith.constant 1 : i32
        %sub3A_610 = vector.broadcast %sub3A_609 : i32 to vector<16xi32>
        %sub3A_611 = arith.subi %convert_element_type3A_608, %sub3A_610 : vector<16xi32>
        %add3A_612 = arith.addi %sub3A_611, %add3A_564 : vector<16xi32>
        %broadcast_in_dim3A_613 = arith.constant 0 : i32
        %broadcast_in_dim3A_614 = vector.broadcast %broadcast_in_dim3A_613 : i32 to vector<16xi32>
        tpu.vector_store_idx %arg6[%broadcast_in_dim3A_614, %add3A_612], %get3A_597 masked %gt3A_599 : memref<2x8208xf32, #tpu.memory_space<vmem>>[vector<16xi32>, vector<16xi32>], vector<16xf32>, vector<16xi1>
        %add3A_615 = vector.broadcast %add3A_593 : i32 to vector<16xi32>
        %add3A_616 = arith.addi %iota3A, %add3A_615 : vector<16xi32>
        tpu.vector_store_idx %arg7[%broadcast_in_dim3A_614, %add3A_612], %add3A_616 masked %gt3A_599 : memref<2x8208xi32, #tpu.memory_space<vmem>>[vector<16xi32>, vector<16xi32>], vector<16xi32>, vector<16xi1>
        %all_reduce_population_count3A_617 = tpu.all_reduce %gt3A_599 {dim = 0 : i64, kind = #tpu.reduction_kind<sum>} : vector<16xi1> -> vector<16xi32>
        %add3A_618 = arith.addi %add3A_564, %all_reduce_population_count3A_617 : vector<16xi32>
        %get3A_619 = arith.constant 1 : i32
        %get3A_620 = arith.index_cast %get3A_619 : i32 to index
        %get3A_621 = arith.index_cast %add3A_593 : i32 to index
        %get3A_622 = tpu.vector_load %arg4[%get3A_620, %get3A_621] {strides = array<i32>} : memref<2x8192xf32, #tpu.memory_space<vmem>>, vector<16xf32>,
        %gt3A_623 = vector.broadcast %max3A_69 : f32 to vector<16xf32>
        %gt3A_624 = arith.cmpf ogt, %get3A_622, %gt3A_623 : vector<16xf32>
        %jit3A_625 = arith.constant 1.000000e+00 : f32
        %jit3A_626 = arith.constant 0.000000e+00 : f32
        %broadcast_in_dim3A_627 = vector.broadcast %jit3A_625 : f32 to vector<16xf32>
        %broadcast_in_dim3A_628 = vector.broadcast %jit3A_626 : f32 to vector<16xf32>
        %select_n3A_629 = arith.select %gt3A_624, %broadcast_in_dim3A_627, %broadcast_in_dim3A_628 : vector<16xi1>, vector<16xf32>
        %broadcast_in_dim3A_630 = arith.constant true
        %broadcast_in_dim3A_631 = vector.broadcast %broadcast_in_dim3A_630 : i1 to vector<16xi1>
        %masked_cumsum3A_632 = tpu.scan <sum>, %select_n3A_629 masked %broadcast_in_dim3A_631 : vector<16xf32>, vector<16xi1> -> vector<16xf32>
        %convert_element_type3A_633 = arith.fptosi %masked_cumsum3A_632 : vector<16xf32> to vector<16xi32>
        %sub3A_634 = arith.constant 1 : i32
        %sub3A_635 = vector.broadcast %sub3A_634 : i32 to vector<16xi32>
        %sub3A_636 = arith.subi %convert_element_type3A_633, %sub3A_635 : vector<16xi32>
        %add3A_637 = arith.addi %sub3A_636, %add3A_589 : vector<16xi32>
        %broadcast_in_dim3A_638 = arith.constant 1 : i32
        %broadcast_in_dim3A_639 = vector.broadcast %broadcast_in_dim3A_638 : i32 to vector<16xi32>
        tpu.vector_store_idx %arg6[%broadcast_in_dim3A_639, %add3A_637], %get3A_622 masked %gt3A_624 : memref<2x8208xf32, #tpu.memory_space<vmem>>[vector<16xi32>, vector<16xi32>], vector<16xf32>, vector<16xi1>
        %add3A_640 = vector.broadcast %add3A_593 : i32 to vector<16xi32>
        %add3A_641 = arith.addi %iota3A, %add3A_640 : vector<16xi32>
        tpu.vector_store_idx %arg7[%broadcast_in_dim3A_639, %add3A_637], %add3A_641 masked %gt3A_624 : memref<2x8208xi32, #tpu.memory_space<vmem>>[vector<16xi32>, vector<16xi32>], vector<16xi32>, vector<16xi1>
        %all_reduce_population_count3A_642 = tpu.all_reduce %gt3A_624 {dim = 0 : i64, kind = #tpu.reduction_kind<sum>} : vector<16xi1> -> vector<16xi32>
        %add3A_643 = arith.addi %add3A_589, %all_reduce_population_count3A_642 : vector<16xi32>
        scf.yield %add3A_618, %add3A_643 : vector<16xi32>, vector<16xi32>
      } else {
        scf.yield %scan3A_185, %scan3A_186 : vector<16xi32>, vector<16xi32>
      }
      scf.yield %cond3A_213#0, %cond3A_213#1 : vector<16xi32>, vector<16xi32>
    }
    %scan3A_77 = arith.constant 64 : i32
    %convert_element_type3A = arith.sitofp %scan3A_76#0 : vector<16xi32> to vector<16xf32>
    %reduce_max3A_78 = arith.constant true
    %reduce_max3A_79 = vector.broadcast %reduce_max3A_78 : i1 to vector<16xi1>
    %reduce_max3A_80 = tpu.scan <max>, %convert_element_type3A masked %reduce_max3A_79 : vector<16xf32>, vector<16xi1> -> vector<16xf32>
    %reduce_max3A_81 = vector.extract %reduce_max3A_80[15] : f32 from vector<16xf32>
    %convert_element_type3A_82 = arith.fptosi %reduce_max3A_81 : f32 to i32
    %swap3A = arith.constant 0 : i32
    %swap3A_83 = arith.index_cast %swap3A : i32 to index
    %swap3A_84 = arith.index_cast %convert_element_type3A_82 : i32 to index
    %swap3A_85 = tpu.vector_load %arg6[%swap3A_83, %swap3A_84] {strides = array<i32>} : memref<2x8208xf32, #tpu.memory_space<vmem>>, vector<16xf32>,
    tpu.vector_store %arg6[%swap3A_83, %swap3A_84], %broadcast_in_dim3A_17 {strides = array<i32>} : memref<2x8208xf32, #tpu.memory_space<vmem>>, vector<16xf32>,
    %add3A_86 = arith.constant 15 : i32
    %add3A_87 = arith.addi %convert_element_type3A_82, %add3A_86 : i32
    %shift_right_arithmetic3A = arith.constant 4 : i32
    %shift_right_arithmetic3A_88 = arith.shrsi %add3A_87, %shift_right_arithmetic3A : i32
    %broadcast_in_dim3A_89 = vector.broadcast %max3A_43 : f32 to vector<16xf32>
    %while3A = arith.constant -1.000000e+00 : f32
    %while3A_90 = arith.constant -2.000000e+00 : f32
    %while3A_91 = arith.constant 0 : i32
    %while3A_92:4 = scf.while (%while3A_184 = %broadcast_in_dim3A_89, %while3A_185 = %while3A, %while3A_186 = %while3A_90, %while3A_187 = %while3A_91) : (vector<16xf32>, f32, f32, i32) -> (vector<16xf32>, f32, f32, i32) {
      %ne3A = arith.cmpf one, %while3A_186, %while3A_185 : f32
      %lt3A = arith.constant 128 : i32
      %lt3A_188 = arith.cmpi slt, %while3A_187, %lt3A : i32
      %and3A = arith.andi %ne3A, %lt3A_188 : i1
      scf.condition(%and3A) %while3A_184, %while3A_185, %while3A_186, %while3A_187 : vector<16xf32>, f32, f32, i32
    } do {
    ^bb0(%while3A_184: vector<16xf32>, %while3A_185: f32, %while3A_186: f32, %while3A_187: i32):
      %broadcast_in_dim3A_188 = arith.constant 0.000000e+00 : f32
      %broadcast_in_dim3A_189 = vector.broadcast %broadcast_in_dim3A_188 : f32 to vector<16xf32>
      %broadcast_in_dim3A_190 = arith.constant 0.000000e+00 : f32
      %broadcast_in_dim3A_191 = vector.broadcast %broadcast_in_dim3A_190 : f32 to vector<16xf32>
      %while3A_192 = arith.constant 0 : i32
      %while3A_193 = arith.subi %shift_right_arithmetic3A_88, %while3A_192 : i32
      %while3A_194 = arith.addi %while3A_192, %while3A_193 : i32
      %while3A_195 = arith.constant 1 : i32
      %while3A_196 = arith.divsi %while3A_193, %while3A_195 : i32
      %while3A_197 = arith.muli %while3A_196, %while3A_195 : i32
      %while3A_198 = arith.addi %while3A_192, %while3A_197 : i32
      %while3A_199 = arith.constant 1 : i32
      %while3A_200:2 = scf.for %while3A_218 = %while3A_192 to %while3A_198 step %while3A_199 iter_args(%while3A_219 = %broadcast_in_dim3A_189, %while3A_220 = %broadcast_in_dim3A_191) -> (vector<16xf32>, vector<16xf32>)  : i32 {
        %mul3A_221 = arith.constant 16 : i32
        %mul3A_222 = arith.muli %while3A_218, %mul3A_221 : i32
        %get3A = arith.constant 0 : i32
        %get3A_223 = arith.index_cast %get3A : i32 to index
        %get3A_224 = arith.index_cast %mul3A_222 : i32 to index
        %get3A_225 = tpu.vector_load %arg6[%get3A_223, %get3A_224] {strides = array<i32>} : memref<2x8208xf32, #tpu.memory_space<vmem>>, vector<16xf32>,
        %gt3A = arith.cmpf ogt, %get3A_225, %while3A_184 : vector<16xf32>
        %jit3A_226 = arith.constant 0.000000e+00 : f32
        %broadcast_in_dim3A_227 = vector.broadcast %jit3A_226 : f32 to vector<16xf32>
        %select_n3A_228 = arith.select %gt3A, %get3A_225, %broadcast_in_dim3A_227 : vector<16xi1>, vector<16xf32>
        %add3A_229 = arith.addf %while3A_219, %select_n3A_228 : vector<16xf32>
        %jit3A_230 = arith.constant 1.000000e+00 : f32
        %jit3A_231 = arith.constant 0.000000e+00 : f32
        %broadcast_in_dim3A_232 = vector.broadcast %jit3A_230 : f32 to vector<16xf32>
        %broadcast_in_dim3A_233 = vector.broadcast %jit3A_231 : f32 to vector<16xf32>
        %select_n3A_234 = arith.select %gt3A, %broadcast_in_dim3A_232, %broadcast_in_dim3A_233 : vector<16xi1>, vector<16xf32>
        %add3A_235 = arith.addf %while3A_220, %select_n3A_234 : vector<16xf32>
        scf.yield %add3A_229, %add3A_235 : vector<16xf32>, vector<16xf32>
      }
      %while3A_201 = arith.constant 1 : i32
      %while3A_202:2 = scf.for %while3A_218 = %while3A_198 to %while3A_194 step %while3A_201 iter_args(%while3A_219 = %while3A_200#0, %while3A_220 = %while3A_200#1) -> (vector<16xf32>, vector<16xf32>)  : i32 {
        %mul3A_221 = arith.constant 16 : i32
        %mul3A_222 = arith.muli %while3A_218, %mul3A_221 : i32
        %get3A = arith.constant 0 : i32
        %get3A_223 = arith.index_cast %get3A : i32 to index
        %get3A_224 = arith.index_cast %mul3A_222 : i32 to index
        %get3A_225 = tpu.vector_load %arg6[%get3A_223, %get3A_224] {strides = array<i32>} : memref<2x8208xf32, #tpu.memory_space<vmem>>, vector<16xf32>,
        %gt3A = arith.cmpf ogt, %get3A_225, %while3A_184 : vector<16xf32>
        %jit3A_226 = arith.constant 0.000000e+00 : f32
        %broadcast_in_dim3A_227 = vector.broadcast %jit3A_226 : f32 to vector<16xf32>
        %select_n3A_228 = arith.select %gt3A, %get3A_225, %broadcast_in_dim3A_227 : vector<16xi1>, vector<16xf32>
        %add3A_229 = arith.addf %while3A_219, %select_n3A_228 : vector<16xf32>
        %jit3A_230 = arith.constant 1.000000e+00 : f32
        %jit3A_231 = arith.constant 0.000000e+00 : f32
        %broadcast_in_dim3A_232 = vector.broadcast %jit3A_230 : f32 to vector<16xf32>
        %broadcast_in_dim3A_233 = vector.broadcast %jit3A_231 : f32 to vector<16xf32>
        %select_n3A_234 = arith.select %gt3A, %broadcast_in_dim3A_232, %broadcast_in_dim3A_233 : vector<16xi1>, vector<16xf32>
        %add3A_235 = arith.addf %while3A_220, %select_n3A_234 : vector<16xf32>
        scf.yield %add3A_229, %add3A_235 : vector<16xf32>, vector<16xf32>
      }
      %reduce_sum3A = arith.constant true
      %reduce_sum3A_203 = vector.broadcast %reduce_sum3A : i1 to vector<16xi1>
      %reduce_sum3A_204 = tpu.scan <sum>, %while3A_202#0 masked %reduce_sum3A_203 : vector<16xf32>, vector<16xi1> -> vector<16xf32>
      %reduce_sum3A_205 = vector.extract %reduce_sum3A_204[15] : f32 from vector<16xf32>
      %reduce_sum3A_206 = arith.constant true
      %reduce_sum3A_207 = vector.broadcast %reduce_sum3A_206 : i1 to vector<16xi1>
      %reduce_sum3A_208 = tpu.scan <sum>, %while3A_202#1 masked %reduce_sum3A_207 : vector<16xf32>, vector<16xi1> -> vector<16xf32>
      %reduce_sum3A_209 = vector.extract %reduce_sum3A_208[15] : f32 from vector<16xf32>
      %sub3A_210 = arith.constant 1.000000e+00 : f32
      %sub3A_211 = arith.subf %reduce_sum3A_205, %sub3A_210 : f32
      %broadcast_in_dim3A_212 = vector.broadcast %sub3A_211 : f32 to vector<16xf32>
      %max3A_213 = arith.constant 1.000000e+00 : f32
      %max3A_214 = arith.maximumf %reduce_sum3A_209, %max3A_213 : f32
      %broadcast_in_dim3A_215 = vector.broadcast %max3A_214 : f32 to vector<16xf32>
      %div3A = arith.divf %broadcast_in_dim3A_212, %broadcast_in_dim3A_215 : vector<16xf32>
      %add3A_216 = arith.constant 1 : i32
      %add3A_217 = arith.addi %while3A_187, %add3A_216 : i32
      scf.yield %div3A, %while3A_186, %reduce_sum3A_209, %add3A_217 : vector<16xf32>, f32, f32, i32
    }
    %broadcast_in_dim3A_93 = arith.constant 0 : i32
    %broadcast_in_dim3A_94 = vector.broadcast %broadcast_in_dim3A_93 : i32 to vector<16xi32>
    %while3A_95 = arith.constant 0 : i32
    %while3A_96 = arith.constant 0 : i32
    %while3A_97 = arith.subi %shift_right_arithmetic3A_88, %while3A_95 : i32
    %while3A_98 = arith.addi %while3A_95, %while3A_97 : i32
    %while3A_99 = arith.constant 1 : i32
    %while3A_100 = arith.divsi %while3A_97, %while3A_99 : i32
    %while3A_101 = arith.muli %while3A_100, %while3A_99 : i32
    %while3A_102 = arith.addi %while3A_95, %while3A_101 : i32
    %while3A_103 = arith.constant 1 : i32
    %while3A_104 = scf.for %while3A_184 = %while3A_95 to %while3A_102 step %while3A_103 iter_args(%while3A_185 = %while3A_96) -> (i32)  : i32 {
      %mul3A_186 = arith.constant 16 : i32
      %mul3A_187 = arith.muli %while3A_184, %mul3A_186 : i32
      %get3A = arith.constant 0 : i32
      %get3A_188 = arith.index_cast %get3A : i32 to index
      %get3A_189 = arith.index_cast %mul3A_187 : i32 to index
      %get3A_190 = tpu.vector_load %arg6[%get3A_188, %get3A_189] {strides = array<i32>} : memref<2x8208xf32, #tpu.memory_space<vmem>>, vector<16xf32>,
      %mul3A_191 = arith.constant 16 : i32
      %mul3A_192 = arith.muli %while3A_184, %mul3A_191 : i32
      %get3A_193 = arith.constant 0 : i32
      %get3A_194 = arith.index_cast %get3A_193 : i32 to index
      %get3A_195 = arith.index_cast %mul3A_192 : i32 to index
      %get3A_196 = tpu.vector_load %arg7[%get3A_194, %get3A_195] {strides = array<i32>} : memref<2x8208xi32, #tpu.memory_space<vmem>>, vector<16xi32>,
      %gt3A = arith.cmpf ogt, %get3A_190, %while3A_92#0 : vector<16xf32>
      %sub3A_197 = arith.subf %get3A_190, %while3A_92#0 : vector<16xf32>
      %max3A_198 = arith.constant 0.000000e+00 : f32
      %max3A_199 = vector.broadcast %max3A_198 : f32 to vector<16xf32>
      %max3A_200 = arith.maximumf %sub3A_197, %max3A_199 : vector<16xf32>
      tpu.vector_store_idx %arg5[%broadcast_in_dim3A_94, %get3A_196], %max3A_200 masked %gt3A : memref<2x8192xf32, #tpu.memory_space<vmem>>[vector<16xi32>, vector<16xi32>], vector<16xf32>, vector<16xi1>
      %while3A_201 = arith.constant 0 : i32
      scf.yield %while3A_201 : i32
    }
    %while3A_105 = arith.constant 1 : i32
    %while3A_106 = scf.for %while3A_184 = %while3A_102 to %while3A_98 step %while3A_105 iter_args(%while3A_185 = %while3A_104) -> (i32)  : i32 {
      %mul3A_186 = arith.constant 16 : i32
      %mul3A_187 = arith.muli %while3A_184, %mul3A_186 : i32
      %get3A = arith.constant 0 : i32
      %get3A_188 = arith.index_cast %get3A : i32 to index
      %get3A_189 = arith.index_cast %mul3A_187 : i32 to index
      %get3A_190 = tpu.vector_load %arg6[%get3A_188, %get3A_189] {strides = array<i32>} : memref<2x8208xf32, #tpu.memory_space<vmem>>, vector<16xf32>,
      %mul3A_191 = arith.constant 16 : i32
      %mul3A_192 = arith.muli %while3A_184, %mul3A_191 : i32
      %get3A_193 = arith.constant 0 : i32
      %get3A_194 = arith.index_cast %get3A_193 : i32 to index
      %get3A_195 = arith.index_cast %mul3A_192 : i32 to index
      %get3A_196 = tpu.vector_load %arg7[%get3A_194, %get3A_195] {strides = array<i32>} : memref<2x8208xi32, #tpu.memory_space<vmem>>, vector<16xi32>,
      %gt3A = arith.cmpf ogt, %get3A_190, %while3A_92#0 : vector<16xf32>
      %sub3A_197 = arith.subf %get3A_190, %while3A_92#0 : vector<16xf32>
      %max3A_198 = arith.constant 0.000000e+00 : f32
      %max3A_199 = vector.broadcast %max3A_198 : f32 to vector<16xf32>
      %max3A_200 = arith.maximumf %sub3A_197, %max3A_199 : vector<16xf32>
      tpu.vector_store_idx %arg5[%broadcast_in_dim3A_94, %get3A_196], %max3A_200 masked %gt3A : memref<2x8192xf32, #tpu.memory_space<vmem>>[vector<16xi32>, vector<16xi32>], vector<16xf32>, vector<16xi1>
      %while3A_201 = arith.constant 0 : i32
      scf.yield %while3A_201 : i32
    }
    %add3A_107 = arith.constant 0 : i32
    %add3A_108 = arith.addi %mul3A_2, %add3A_107 : i32
    %dma_start3A_109 = arith.constant 0 : i32
    %dma_start3A_110 = arith.constant 0 : i32
    %dma_start3A_111 = tpu.memref_slice %arg5[%dma_start3A_109, %dma_start3A_110] : memref<2x8192xf32, #tpu.memory_space<vmem>> -> memref<1x8192xf32, #tpu.memory_space<vmem>>
    %dma_start3A_112 = arith.constant 0 : i32
    %dma_start3A_113 = tpu.memref_slice %arg3[%add3A_108, %dma_start3A_112] : memref<64x8192xf32, #tpu.memory_space<hbm>> -> memref<1x8192xf32, #tpu.memory_space<hbm>>
    %dma_start3A_114 = arith.constant 0 : i32
    %dma_start3A_115 = tpu.memref_slice %arg3[%add3A_108, %dma_start3A_114] : memref<64x8192xf32, #tpu.memory_space<hbm>> -> memref<1x8192xf32, #tpu.memory_space<hbm>>
    %dma_start3A_116 = arith.constant 0 : i32
    %dma_start3A_117 = arith.constant 0 : i32
    %dma_start3A_118 = tpu.memref_slice %arg5[%dma_start3A_116, %dma_start3A_117] : memref<2x8192xf32, #tpu.memory_space<vmem>> -> memref<1x8192xf32, #tpu.memory_space<vmem>>
    tpu.enqueue_dma source(%dma_start3A_118 : memref<1x8192xf32, #tpu.memory_space<vmem>>) target(%dma_start3A_115 : memref<1x8192xf32, #tpu.memory_space<hbm>>) target_semaphore(%arg10 : memref<!tpu.dma_semaphore, #tpu.memory_space<semaphore_mem>>)
    %convert_element_type3A_119 = arith.sitofp %scan3A_76#1 : vector<16xi32> to vector<16xf32>
    %reduce_max3A_120 = arith.constant true
    %reduce_max3A_121 = vector.broadcast %reduce_max3A_120 : i1 to vector<16xi1>
    %reduce_max3A_122 = tpu.scan <max>, %convert_element_type3A_119 masked %reduce_max3A_121 : vector<16xf32>, vector<16xi1> -> vector<16xf32>
    %reduce_max3A_123 = vector.extract %reduce_max3A_122[15] : f32 from vector<16xf32>
    %convert_element_type3A_124 = arith.fptosi %reduce_max3A_123 : f32 to i32
    %swap3A_125 = arith.constant 1 : i32
    %swap3A_126 = arith.index_cast %swap3A_125 : i32 to index
    %swap3A_127 = arith.index_cast %convert_element_type3A_124 : i32 to index
    %swap3A_128 = tpu.vector_load %arg6[%swap3A_126, %swap3A_127] {strides = array<i32>} : memref<2x8208xf32, #tpu.memory_space<vmem>>, vector<16xf32>,
    tpu.vector_store %arg6[%swap3A_126, %swap3A_127], %broadcast_in_dim3A_17 {strides = array<i32>} : memref<2x8208xf32, #tpu.memory_space<vmem>>, vector<16xf32>,
    %add3A_129 = arith.constant 15 : i32
    %add3A_130 = arith.addi %convert_element_type3A_124, %add3A_129 : i32
    %shift_right_arithmetic3A_131 = arith.constant 4 : i32
    %shift_right_arithmetic3A_132 = arith.shrsi %add3A_130, %shift_right_arithmetic3A_131 : i32
    %broadcast_in_dim3A_133 = vector.broadcast %max3A_69 : f32 to vector<16xf32>
    %while3A_134 = arith.constant -1.000000e+00 : f32
    %while3A_135 = arith.constant -2.000000e+00 : f32
    %while3A_136 = arith.constant 0 : i32
    %while3A_137:4 = scf.while (%while3A_184 = %broadcast_in_dim3A_133, %while3A_185 = %while3A_134, %while3A_186 = %while3A_135, %while3A_187 = %while3A_136) : (vector<16xf32>, f32, f32, i32) -> (vector<16xf32>, f32, f32, i32) {
      %ne3A = arith.cmpf one, %while3A_186, %while3A_185 : f32
      %lt3A = arith.constant 128 : i32
      %lt3A_188 = arith.cmpi slt, %while3A_187, %lt3A : i32
      %and3A = arith.andi %ne3A, %lt3A_188 : i1
      scf.condition(%and3A) %while3A_184, %while3A_185, %while3A_186, %while3A_187 : vector<16xf32>, f32, f32, i32
    } do {
    ^bb0(%while3A_184: vector<16xf32>, %while3A_185: f32, %while3A_186: f32, %while3A_187: i32):
      %broadcast_in_dim3A_188 = arith.constant 0.000000e+00 : f32
      %broadcast_in_dim3A_189 = vector.broadcast %broadcast_in_dim3A_188 : f32 to vector<16xf32>
      %broadcast_in_dim3A_190 = arith.constant 0.000000e+00 : f32
      %broadcast_in_dim3A_191 = vector.broadcast %broadcast_in_dim3A_190 : f32 to vector<16xf32>
      %while3A_192 = arith.constant 0 : i32
      %while3A_193 = arith.subi %shift_right_arithmetic3A_132, %while3A_192 : i32
      %while3A_194 = arith.addi %while3A_192, %while3A_193 : i32
      %while3A_195 = arith.constant 1 : i32
      %while3A_196 = arith.divsi %while3A_193, %while3A_195 : i32
      %while3A_197 = arith.muli %while3A_196, %while3A_195 : i32
      %while3A_198 = arith.addi %while3A_192, %while3A_197 : i32
      %while3A_199 = arith.constant 1 : i32
      %while3A_200:2 = scf.for %while3A_218 = %while3A_192 to %while3A_198 step %while3A_199 iter_args(%while3A_219 = %broadcast_in_dim3A_189, %while3A_220 = %broadcast_in_dim3A_191) -> (vector<16xf32>, vector<16xf32>)  : i32 {
        %mul3A_221 = arith.constant 16 : i32
        %mul3A_222 = arith.muli %while3A_218, %mul3A_221 : i32
        %get3A = arith.constant 1 : i32
        %get3A_223 = arith.index_cast %get3A : i32 to index
        %get3A_224 = arith.index_cast %mul3A_222 : i32 to index
        %get3A_225 = tpu.vector_load %arg6[%get3A_223, %get3A_224] {strides = array<i32>} : memref<2x8208xf32, #tpu.memory_space<vmem>>, vector<16xf32>,
        %gt3A = arith.cmpf ogt, %get3A_225, %while3A_184 : vector<16xf32>
        %jit3A_226 = arith.constant 0.000000e+00 : f32
        %broadcast_in_dim3A_227 = vector.broadcast %jit3A_226 : f32 to vector<16xf32>
        %select_n3A_228 = arith.select %gt3A, %get3A_225, %broadcast_in_dim3A_227 : vector<16xi1>, vector<16xf32>
        %add3A_229 = arith.addf %while3A_219, %select_n3A_228 : vector<16xf32>
        %jit3A_230 = arith.constant 1.000000e+00 : f32
        %jit3A_231 = arith.constant 0.000000e+00 : f32
        %broadcast_in_dim3A_232 = vector.broadcast %jit3A_230 : f32 to vector<16xf32>
        %broadcast_in_dim3A_233 = vector.broadcast %jit3A_231 : f32 to vector<16xf32>
        %select_n3A_234 = arith.select %gt3A, %broadcast_in_dim3A_232, %broadcast_in_dim3A_233 : vector<16xi1>, vector<16xf32>
        %add3A_235 = arith.addf %while3A_220, %select_n3A_234 : vector<16xf32>
        scf.yield %add3A_229, %add3A_235 : vector<16xf32>, vector<16xf32>
      }
      %while3A_201 = arith.constant 1 : i32
      %while3A_202:2 = scf.for %while3A_218 = %while3A_198 to %while3A_194 step %while3A_201 iter_args(%while3A_219 = %while3A_200#0, %while3A_220 = %while3A_200#1) -> (vector<16xf32>, vector<16xf32>)  : i32 {
        %mul3A_221 = arith.constant 16 : i32
        %mul3A_222 = arith.muli %while3A_218, %mul3A_221 : i32
        %get3A = arith.constant 1 : i32
        %get3A_223 = arith.index_cast %get3A : i32 to index
        %get3A_224 = arith.index_cast %mul3A_222 : i32 to index
        %get3A_225 = tpu.vector_load %arg6[%get3A_223, %get3A_224] {strides = array<i32>} : memref<2x8208xf32, #tpu.memory_space<vmem>>, vector<16xf32>,
        %gt3A = arith.cmpf ogt, %get3A_225, %while3A_184 : vector<16xf32>
        %jit3A_226 = arith.constant 0.000000e+00 : f32
        %broadcast_in_dim3A_227 = vector.broadcast %jit3A_226 : f32 to vector<16xf32>
        %select_n3A_228 = arith.select %gt3A, %get3A_225, %broadcast_in_dim3A_227 : vector<16xi1>, vector<16xf32>
        %add3A_229 = arith.addf %while3A_219, %select_n3A_228 : vector<16xf32>
        %jit3A_230 = arith.constant 1.000000e+00 : f32
        %jit3A_231 = arith.constant 0.000000e+00 : f32
        %broadcast_in_dim3A_232 = vector.broadcast %jit3A_230 : f32 to vector<16xf32>
        %broadcast_in_dim3A_233 = vector.broadcast %jit3A_231 : f32 to vector<16xf32>
        %select_n3A_234 = arith.select %gt3A, %broadcast_in_dim3A_232, %broadcast_in_dim3A_233 : vector<16xi1>, vector<16xf32>
        %add3A_235 = arith.addf %while3A_220, %select_n3A_234 : vector<16xf32>
        scf.yield %add3A_229, %add3A_235 : vector<16xf32>, vector<16xf32>
      }
      %reduce_sum3A = arith.constant true
      %reduce_sum3A_203 = vector.broadcast %reduce_sum3A : i1 to vector<16xi1>
      %reduce_sum3A_204 = tpu.scan <sum>, %while3A_202#0 masked %reduce_sum3A_203 : vector<16xf32>, vector<16xi1> -> vector<16xf32>
      %reduce_sum3A_205 = vector.extract %reduce_sum3A_204[15] : f32 from vector<16xf32>
      %reduce_sum3A_206 = arith.constant true
      %reduce_sum3A_207 = vector.broadcast %reduce_sum3A_206 : i1 to vector<16xi1>
      %reduce_sum3A_208 = tpu.scan <sum>, %while3A_202#1 masked %reduce_sum3A_207 : vector<16xf32>, vector<16xi1> -> vector<16xf32>
      %reduce_sum3A_209 = vector.extract %reduce_sum3A_208[15] : f32 from vector<16xf32>
      %sub3A_210 = arith.constant 1.000000e+00 : f32
      %sub3A_211 = arith.subf %reduce_sum3A_205, %sub3A_210 : f32
      %broadcast_in_dim3A_212 = vector.broadcast %sub3A_211 : f32 to vector<16xf32>
      %max3A_213 = arith.constant 1.000000e+00 : f32
      %max3A_214 = arith.maximumf %reduce_sum3A_209, %max3A_213 : f32
      %broadcast_in_dim3A_215 = vector.broadcast %max3A_214 : f32 to vector<16xf32>
      %div3A = arith.divf %broadcast_in_dim3A_212, %broadcast_in_dim3A_215 : vector<16xf32>
      %add3A_216 = arith.constant 1 : i32
      %add3A_217 = arith.addi %while3A_187, %add3A_216 : i32
      scf.yield %div3A, %while3A_186, %reduce_sum3A_209, %add3A_217 : vector<16xf32>, f32, f32, i32
    }
    %broadcast_in_dim3A_138 = arith.constant 1 : i32
    %broadcast_in_dim3A_139 = vector.broadcast %broadcast_in_dim3A_138 : i32 to vector<16xi32>
    %while3A_140 = arith.constant 0 : i32
    %while3A_141 = arith.constant 0 : i32
    %while3A_142 = arith.subi %shift_right_arithmetic3A_132, %while3A_140 : i32
    %while3A_143 = arith.addi %while3A_140, %while3A_142 : i32
    %while3A_144 = arith.constant 1 : i32
    %while3A_145 = arith.divsi %while3A_142, %while3A_144 : i32
    %while3A_146 = arith.muli %while3A_145, %while3A_144 : i32
    %while3A_147 = arith.addi %while3A_140, %while3A_146 : i32
    %while3A_148 = arith.constant 1 : i32
    %while3A_149 = scf.for %while3A_184 = %while3A_140 to %while3A_147 step %while3A_148 iter_args(%while3A_185 = %while3A_141) -> (i32)  : i32 {
      %mul3A_186 = arith.constant 16 : i32
      %mul3A_187 = arith.muli %while3A_184, %mul3A_186 : i32
      %get3A = arith.constant 1 : i32
      %get3A_188 = arith.index_cast %get3A : i32 to index
      %get3A_189 = arith.index_cast %mul3A_187 : i32 to index
      %get3A_190 = tpu.vector_load %arg6[%get3A_188, %get3A_189] {strides = array<i32>} : memref<2x8208xf32, #tpu.memory_space<vmem>>, vector<16xf32>,
      %mul3A_191 = arith.constant 16 : i32
      %mul3A_192 = arith.muli %while3A_184, %mul3A_191 : i32
      %get3A_193 = arith.constant 1 : i32
      %get3A_194 = arith.index_cast %get3A_193 : i32 to index
      %get3A_195 = arith.index_cast %mul3A_192 : i32 to index
      %get3A_196 = tpu.vector_load %arg7[%get3A_194, %get3A_195] {strides = array<i32>} : memref<2x8208xi32, #tpu.memory_space<vmem>>, vector<16xi32>,
      %gt3A = arith.cmpf ogt, %get3A_190, %while3A_137#0 : vector<16xf32>
      %sub3A_197 = arith.subf %get3A_190, %while3A_137#0 : vector<16xf32>
      %max3A_198 = arith.constant 0.000000e+00 : f32
      %max3A_199 = vector.broadcast %max3A_198 : f32 to vector<16xf32>
      %max3A_200 = arith.maximumf %sub3A_197, %max3A_199 : vector<16xf32>
      tpu.vector_store_idx %arg5[%broadcast_in_dim3A_139, %get3A_196], %max3A_200 masked %gt3A : memref<2x8192xf32, #tpu.memory_space<vmem>>[vector<16xi32>, vector<16xi32>], vector<16xf32>, vector<16xi1>
      %while3A_201 = arith.constant 0 : i32
      scf.yield %while3A_201 : i32
    }
    %while3A_150 = arith.constant 1 : i32
    %while3A_151 = scf.for %while3A_184 = %while3A_147 to %while3A_143 step %while3A_150 iter_args(%while3A_185 = %while3A_149) -> (i32)  : i32 {
      %mul3A_186 = arith.constant 16 : i32
      %mul3A_187 = arith.muli %while3A_184, %mul3A_186 : i32
      %get3A = arith.constant 1 : i32
      %get3A_188 = arith.index_cast %get3A : i32 to index
      %get3A_189 = arith.index_cast %mul3A_187 : i32 to index
      %get3A_190 = tpu.vector_load %arg6[%get3A_188, %get3A_189] {strides = array<i32>} : memref<2x8208xf32, #tpu.memory_space<vmem>>, vector<16xf32>,
      %mul3A_191 = arith.constant 16 : i32
      %mul3A_192 = arith.muli %while3A_184, %mul3A_191 : i32
      %get3A_193 = arith.constant 1 : i32
      %get3A_194 = arith.index_cast %get3A_193 : i32 to index
      %get3A_195 = arith.index_cast %mul3A_192 : i32 to index
      %get3A_196 = tpu.vector_load %arg7[%get3A_194, %get3A_195] {strides = array<i32>} : memref<2x8208xi32, #tpu.memory_space<vmem>>, vector<16xi32>,
      %gt3A = arith.cmpf ogt, %get3A_190, %while3A_137#0 : vector<16xf32>
      %sub3A_197 = arith.subf %get3A_190, %while3A_137#0 : vector<16xf32>
      %max3A_198 = arith.constant 0.000000e+00 : f32
      %max3A_199 = vector.broadcast %max3A_198 : f32 to vector<16xf32>
      %max3A_200 = arith.maximumf %sub3A_197, %max3A_199 : vector<16xf32>
      tpu.vector_store_idx %arg5[%broadcast_in_dim3A_139, %get3A_196], %max3A_200 masked %gt3A : memref<2x8192xf32, #tpu.memory_space<vmem>>[vector<16xi32>, vector<16xi32>], vector<16xf32>, vector<16xi1>
      %while3A_201 = arith.constant 0 : i32
      scf.yield %while3A_201 : i32
    }
    %add3A_152 = arith.constant 1 : i32
    %add3A_153 = arith.addi %mul3A_2, %add3A_152 : i32
    %dma_start3A_154 = arith.constant 1 : i32
    %dma_start3A_155 = arith.constant 0 : i32
    %dma_start3A_156 = tpu.memref_slice %arg5[%dma_start3A_154, %dma_start3A_155] : memref<2x8192xf32, #tpu.memory_space<vmem>> -> memref<1x8192xf32, #tpu.memory_space<vmem>>
    %dma_start3A_157 = arith.constant 0 : i32
    %dma_start3A_158 = tpu.memref_slice %arg3[%add3A_153, %dma_start3A_157] : memref<64x8192xf32, #tpu.memory_space<hbm>> -> memref<1x8192xf32, #tpu.memory_space<hbm>>
    %dma_start3A_159 = arith.constant 0 : i32
    %dma_start3A_160 = tpu.memref_slice %arg3[%add3A_153, %dma_start3A_159] : memref<64x8192xf32, #tpu.memory_space<hbm>> -> memref<1x8192xf32, #tpu.memory_space<hbm>>
    %dma_start3A_161 = arith.constant 1 : i32
    %dma_start3A_162 = arith.constant 0 : i32
    %dma_start3A_163 = tpu.memref_slice %arg5[%dma_start3A_161, %dma_start3A_162] : memref<2x8192xf32, #tpu.memory_space<vmem>> -> memref<1x8192xf32, #tpu.memory_space<vmem>>
    tpu.enqueue_dma source(%dma_start3A_163 : memref<1x8192xf32, #tpu.memory_space<vmem>>) target(%dma_start3A_160 : memref<1x8192xf32, #tpu.memory_space<hbm>>) target_semaphore(%arg10 : memref<!tpu.dma_semaphore, #tpu.memory_space<semaphore_mem>>)
    %dma_wait3A_164 = arith.constant 0 : i32
    %dma_wait3A_165 = arith.constant 0 : i32
    %dma_wait3A_166 = tpu.memref_slice %arg5[%dma_wait3A_164, %dma_wait3A_165] : memref<2x8192xf32, #tpu.memory_space<vmem>> -> memref<1x8192xf32, #tpu.memory_space<vmem>>
    %dma_wait3A_167 = arith.constant 0 : i32
    %dma_wait3A_168 = tpu.memref_slice %arg3[%add3A_108, %dma_wait3A_167] : memref<64x8192xf32, #tpu.memory_space<hbm>> -> memref<1x8192xf32, #tpu.memory_space<hbm>>
    %dma_wait3A_169 = arith.constant 0 : i32
    %dma_wait3A_170 = tpu.memref_slice %arg3[%add3A_108, %dma_wait3A_169] : memref<64x8192xf32, #tpu.memory_space<hbm>> -> memref<1x8192xf32, #tpu.memory_space<hbm>>
    %dma_wait3A_171 = arith.constant 0 : i32
    %dma_wait3A_172 = arith.constant 0 : i32
    %dma_wait3A_173 = tpu.memref_slice %arg5[%dma_wait3A_171, %dma_wait3A_172] : memref<2x8192xf32, #tpu.memory_space<vmem>> -> memref<1x8192xf32, #tpu.memory_space<vmem>>
    tpu.wait_dma2 semaphore(%arg10 : memref<!tpu.dma_semaphore, #tpu.memory_space<semaphore_mem>>) src(%dma_wait3A_173 : memref<1x8192xf32, #tpu.memory_space<vmem>>) dst(%dma_wait3A_170 : memref<1x8192xf32, #tpu.memory_space<hbm>>)
    %dma_wait3A_174 = arith.constant 1 : i32
    %dma_wait3A_175 = arith.constant 0 : i32
    %dma_wait3A_176 = tpu.memref_slice %arg5[%dma_wait3A_174, %dma_wait3A_175] : memref<2x8192xf32, #tpu.memory_space<vmem>> -> memref<1x8192xf32, #tpu.memory_space<vmem>>
    %dma_wait3A_177 = arith.constant 0 : i32
    %dma_wait3A_178 = tpu.memref_slice %arg3[%add3A_153, %dma_wait3A_177] : memref<64x8192xf32, #tpu.memory_space<hbm>> -> memref<1x8192xf32, #tpu.memory_space<hbm>>
    %dma_wait3A_179 = arith.constant 0 : i32
    %dma_wait3A_180 = tpu.memref_slice %arg3[%add3A_153, %dma_wait3A_179] : memref<64x8192xf32, #tpu.memory_space<hbm>> -> memref<1x8192xf32, #tpu.memory_space<hbm>>
    %dma_wait3A_181 = arith.constant 1 : i32
    %dma_wait3A_182 = arith.constant 0 : i32
    %dma_wait3A_183 = tpu.memref_slice %arg5[%dma_wait3A_181, %dma_wait3A_182] : memref<2x8192xf32, #tpu.memory_space<vmem>> -> memref<1x8192xf32, #tpu.memory_space<vmem>>
    tpu.wait_dma2 semaphore(%arg10 : memref<!tpu.dma_semaphore, #tpu.memory_space<semaphore_mem>>) src(%dma_wait3A_183 : memref<1x8192xf32, #tpu.memory_space<vmem>>) dst(%dma_wait3A_180 : memref<1x8192xf32, #tpu.memory_space<hbm>>)
    return
  }
}

</mosaic_0001>

<sc_bundles>
// kernel: kernel.3.cloned.1.call-start
scs
__scs_entry_jumppad:
0x0: {  	(pc) =	sbr.rel $0x88, $3  }
0x1: {  	(tag) =	ssettag $0x0;
	lr =	simm.s32 $0x1  }
0x2: {  	[smem:$0x3FA0] =	sst lr;
	_ =	strace $0xD0000000  }
0x3: {  	_ = 	snop  }
0x4: {  	_ = 	snop  }
0x5: {  	_ = 	snop  }
0x6: {  	_ = 	snop  }
0x7: {  	_ = 	snop  }
__scs_overlays_trampoline_lowered:
0x8: {  	[smem:$0x3FAF] =	sst s0  }
0x9: {  	[smem:$0x3FB0] =	sst s1  }
0xa: {  	[smem:$0x3FB1] =	sst s2  }
0xb: {  	[smem:$0x3FB2] =	sst s3  }
0xc: {  	[smem:$0x3FB3] =	sst s4  }
0xd: {  	[smem:$0x3FB4] =	sst s5  }
0xe: {  	[smem:$0x3FB5] =	sst s6  }
0xf: {  	[smem:$0x3FB6] =	sst s7  }
0x10: {  	[smem:$0x3FB7] =	sst s8  }
0x11: {  	[smem:$0x3FB8] =	sst s9;
	s0 =	simm.s32 @!p0 $0x0  }
0x12: {  	s1 =	sld [smem:$0x3F9E];
	s0 =	simm.s32 @p0 $0x1  }
0x13: {  	[smem:$0x3FB9] =	sst s0;
	s0 =	simm.s32 @!p1 $0x0  }
0x14: {  	s2 =	sld [smem:$0x3F9D];
	s0 =	simm.s32 @p1 $0x1  }
0x15: {  	[smem:$0x3FBA] =	sst s0;
	s0 =	simm.s32 @!p2 $0x0  }
0x16: {  	s3 =	sld [smem:$0x3FDB];
	s0 =	simm.s32 @p2 $0x1  }
0x17: {  	s4 =	simm.s32 $0x1BF5;
	[smem:$0x3FBC] =	sst s0  }
0x18: {  	s0 =	sld [smem:$0x3F9F];
	_ =	swait.ge [sflag:s4], $0x0  }
0x19: {  	s7 =	sld [smem:$0x3FA0]  }
0x1a: {  	s8 =	sadd.s32 $0xFFFFE003, lr  }
0x1b: {  	s9 =	sadd.s32 $0xFFFFFEF7, lr;
	s5 =	simm.s32 $0xFFFFFFFF;
	p2 =	slt.u32 s8, $0xFFFFF086  }
0x1c: {  	p1 =	slt.u32 s9, $0xF7A;
	s5 =	simm.s32 @!p2 $0x0  }
0x1d: {  	s5 =	simm.s32 @p1 $0x1;
	p0 =	seq.s32 s7, s2  }
0x1e: {  	s7 =	smul.u32 @!p0 $0xF7A, s2;
	p2 =	seq.s32 @!p0 s5, $0x0  }
0x1f: {  	s9 =	smul.u32 $0xF7A, s1;
	s8 =	simm.s32 @!p0 $0x1BF5;
	p2 =	por !p2, p0  }
0x20: {  	[sflag:s8] =	ssyncset.s32 @!p0 $0xFFFFF086;
	s6 =	sadd.s32 @!p0 s3, s7;
	s7 =	simm.s32 @!p0 $0x108  }
0x21: {  	s3 =	sadd.s32 s3, s9;
	s6 =	sadd.s32 @!p0 $0x88, s6;
	s7 =	simm.s32 @p2 $0x1082  }
0x22: {  	[simem:s7], [sflag:s8] =	dma.local @!p0 [hbm:s6], $0xF7A  }
0x23: {  	s9 =	sor.u32 $0xD0000000, s2;
	s6 =	simm.s32 $0x108;
	_ =	swait.ge @!p0 [sflag:s8], $0x0  }
0x24: {  	s3 =	sadd.s32 $0x88, s3;
	s6 =	simm.s32 @!p1 $0x1082;
	[sflag:s4] =	ssyncset.s32 $0xFFFFF086  }
0x25: {  	[simem:s6], [sflag:s4] =	dma.local [hbm:s3], $0xF7A  }
0x26: {  	[smem:$0x3FA0] =	sst s1;
	(tag) =	ssettag s2;
	_ =	strace s9  }
0x27: {  	s1 =	sld [smem:$0x3FB0]  }
0x28: {  	s2 =	sld [smem:$0x3FB1]  }
0x29: {  	s4 =	sld [smem:$0x3FB3]  }
0x2a: {  	p0 =	seq.s32 s5, $0x0;
	s5 =	sld [smem:$0x3FB4]  }
0x2b: {  	s6 =	sld [smem:$0x3FB5]  }
0x2c: {  	s7 =	sld [smem:$0x3FB6]  }
0x2d: {  	s3 =	simm.s32 $0x108;
	s8 =	sld [smem:$0x3FB7]  }
0x2e: {  	s3 =	simm.s32 @!p0 $0x1082;
	s9 =	sld [smem:$0x3FB8]  }
0x2f: {  	lr =	sadd.s32 s0, s3;
	s0 =	sld [smem:$0x3FAF]  }
0x30: {  	s3 =	sld [smem:$0x3FB2]  }
0x31: {  	[smem:$0x3FBB] =	sst s10  }
0x32: {  	s10 =	sld [smem:$0x3FB9];
	_ =	sdelay $0x3  }
0x33: {  	p0 =	seq.s32 s10, $0x1;
	s10 =	sld [smem:$0x3FBB];
	_ =	sdelay $0x3  }
0x34: {  	[smem:$0x3FBB] =	sst s10  }
0x35: {  	s10 =	sld [smem:$0x3FBA];
	_ =	sdelay $0x3  }
0x36: {  	p1 =	seq.s32 s10, $0x1;
	s10 =	sld [smem:$0x3FBB];
	_ =	sdelay $0x3  }
0x37: {  	[smem:$0x3FBB] =	sst s10  }
0x38: {  	s10 =	sld [smem:$0x3FBC]  }
0x39: {  	_ = 	snop;
	(pc) =	sbr.ind lr, $3  }
0x3a: {  	_ = 	snop  }
0x3b: {  	_ = 	snop  }
0x3c: {  	p2 =	seq.s32 s10, $0x1;
	s10 =	sld [smem:$0x3FBB]  }
0x3d: {  	_ =	shalt  }
0x3e: {  	_ =	shalt  }
0x3f: {  	_ =	shalt  }
0x40: {  	_ =	shalt  }
0x41: {  	_ =	shalt  }
0x42: {  	_ =	shalt  }
0x43: {  	_ =	shalt  }
0x44: {  	_ =	shalt  }
0x45: {  	_ =	shalt  }
0x46: {  	_ =	shalt  }
0x47: {  	_ =	shalt  }
0x48: {  	_ =	shalt  }
0x49: {  	_ =	shalt  }
0x4a: {  	_ =	shalt  }
0x4b: {  	_ =	shalt  }
0x4c: {  	_ =	shalt  }
0x4d: {  	_ =	shalt  }
0x4e: {  	_ =	shalt  }
0x4f: {  	_ =	shalt  }
0x50: {  	_ =	shalt  }
0x51: {  	_ =	shalt  }
0x52: {  	_ =	shalt  }
0x53: {  	_ =	shalt  }
0x54: {  	_ =	shalt  }
0x55: {  	_ =	shalt  }
0x56: {  	_ =	shalt  }
0x57: {  	_ =	shalt  }
0x58: {  	_ =	shalt  }
0x59: {  	_ =	shalt  }
0x5a: {  	_ =	shalt  }
0x5b: {  	_ =	shalt  }
0x5c: {  	_ =	shalt  }
0x5d: {  	_ =	shalt  }
0x5e: {  	_ =	shalt  }
0x5f: {  	_ =	shalt  }
0x60: {  	_ =	shalt  }
0x61: {  	_ =	shalt  }
0x62: {  	_ =	shalt  }
0x63: {  	_ =	shalt  }
0x64: {  	_ =	shalt  }
0x65: {  	_ =	shalt  }
0x66: {  	_ =	shalt  }
0x67: {  	_ =	shalt  }
0x68: {  	_ =	shalt  }
0x69: {  	_ =	shalt  }
0x6a: {  	_ =	shalt  }
0x6b: {  	_ =	shalt  }
0x6c: {  	_ =	shalt  }
0x6d: {  	_ =	shalt  }
0x6e: {  	_ =	shalt  }
0x6f: {  	_ =	shalt  }
0x70: {  	_ =	shalt  }
0x71: {  	_ =	shalt  }
0x72: {  	_ =	shalt  }
0x73: {  	_ =	shalt  }
0x74: {  	_ =	shalt  }
0x75: {  	_ =	shalt  }
0x76: {  	_ =	shalt  }
0x77: {  	_ =	shalt  }
0x78: {  	_ =	shalt  }
0x79: {  	_ =	shalt  }
0x7a: {  	_ =	shalt  }
0x7b: {  	_ =	shalt  }
0x7c: {  	_ =	shalt  }
0x7d: {  	_ =	shalt  }
0x7e: {  	_ =	shalt  }
0x7f: {  	_ =	shalt  }
0x80: {  	_ =	shalt  }
0x81: {  	_ =	shalt  }
0x82: {  	_ =	shalt  }
0x83: {  	_ =	shalt  }
0x84: {  	_ =	shalt  }
0x85: {  	_ =	shalt  }
0x86: {  	_ =	shalt  }
0x87: {  	_ =	shalt  }
.Lfunc_end0:
.L_simem_size_0:
called_computation_lowered:
.L_overlay_start_0:
0x88: {  	s2 =	sld [smem:$0x3FD9]  }
0x89: {  	s3 =	sld [smem:$0x3FFE];
	_ =	sdelay $0x1  }
0x8a: {  	s1 =	srdreg.scid  }
0x8b: {  	s0 =	sand.u32 $0x1, s1  }
0x8c: {  	s18 =	sshll.u32 s0, $0xA;
	s2 =	sadd.s32 s3, s2  }
0x8d: {  	s2 =	sadd.s32 s2, s18  }
0x8e: {  	[smem:$0x3FC7] =	sst s2  }
0x8f: {  	_ = 	snop  }
0x90: {  	s2 =	sld [smem:$0x3FC9]  }
0x91: {  	s19 =	sld [smem:$0x3FD0];
	(tm) =	ssettm $0x1  }
0x92: {  	s4 =	sld [smem:$0x3FFB];
	_ =	sdelay $0x3  }
0x93: {  	_ =	strace s4  }
0x94: {  	s4 =	sld [smem:$0x3FFC];
	_ =	sdelay $0x3  }
0x95: {  	_ =	strace s4  }
0x96: {  	s4 =	sld [smem:$0x3FFD];
	_ =	sdelay $0x3  }
0x97: {  	_ =	strace s4  }
0x98: {  	_ =	strace $0x8FFFFFFF  }
0x99: {  	s20 =	sld [smem:$0x3FDB];
	_ =	sdelay $0x1  }
0x9a: {  	s5 =	simm.s32 $_scs_section_size  }
0x9b: {  	s6 =	simm.s32 $_size__tile_overlayer_lowered;
	s7 =	simm.s32 $_tile_overlayer_lowered  }
0x9c: {  	s23 =	simm.s32 $0x1BFF;
	s22 =	sshll.u32 s7, $0x1;
	s4 =	sadd.s32 s5, s20  }
0x9d: {  	s8 =	simm.s32 $0x0;
	s21 =	sshll.u32 s6, $0x1;
	s6 =	sadd.s32 s22, s4  }
0x9e: {  	[timem:s8], [sflag:s23] =	dma.local [hbm:s6], s21  }
0x9f: {  	_ =	swait.ge [sflag:s23], s21  }
0xa0: {  	s5 =	ssub.s32 $0x0, s21;
	[sflag:s23] =	ssyncset.done $0x0  }
0xa1: {  	[sflag:s23] =	ssyncadd.s32 s5;
	_ =	sdelay $0x1  }
0xa2: {  	s24 =	simm.s32 $0x1B8B  }
0xa3: {  	_ =	swait.ge [sflag:s24], $0x1  }
0xa4: {  	[sflag:s24] =	ssyncset.done $0x0  }
0xa5: {  	s25 =	simm.s32 $0x1B8E;
	[sflag:s24] =	ssyncadd.s32 $0xFFFFFFFF  }
0xa6: {  	s26 =	simm.s32 $execute0_lowered;
	[smem:$0x3FD2] =	sst s25  }
0xa7: {  	s5 =	sshll.u32 s26, $0x1;
	_ =	strace $0x80000046;
	[dreg:$0x1] =	wrdreg $0xFFFFFFFF  }
0xa8: {  	s28 =	simm.s32 $_size_execute0_lowered;
	s4 =	sadd.s32 s4, s5;
	[dreg:$0x0] =	wrdreg $0x0  }
0xa9: {  	s5 =	sshll.u32 s28, $0x1;
	[dreg:$0x2] =	wrdreg s4  }
0xaa: {  	[dreg:$0x3] =	wrdreg s5  }
0xab: {  	[dreg:$0x4] =	wrdreg $0xC0  }
0xac: {  	_ =	task [dreg:s8], $0x5FFFF  }
0xad: {  	[dreg:$0x1] =	wrdreg $0xFFFFFFFF  }
0xae: {  	[dreg:$0x0] =	wrdreg $0x60  }
0xaf: {  	[dreg:$0x2] =	wrdreg s2  }
0xb0: {  	[dreg:$0x3] =	wrdreg s19  }
0xb1: {  	[dreg:$0x4] =	wrdreg $0x9  }
0xb2: {  	_ =	task.clear_ibuf [dreg:s8], $0x5FFFF;
	_ =	strace $0x90000046  }
0xb3: {  	s29 =	simm.s32 $0x9;
	_ =	strace $0x80000048  }
0xb4: {  	_ =	swait.ge [sflag:s29], $0x1  }
0xb5: {  	[sflag:s29] =	ssyncadd.s32 $0xFFFFFFFF  }
0xb6: {  	_ =	strace $0x90000048  }
0xb7: {  	_ =	sfence  }
0xb8: {  	s30 =	sld [smem:$0x0];
	_ =	sdelay $0x2  }
0xb9: {  	s31 =	sshll.u32 s1, $0xD;
	s1 =	sshrl.u32 s1, $0x2  }
0xba: {  	s3 =	sand.u32 $0x4000, s31;
	s1 =	sadd.s32 s1, s30  }
0xbb: {  	s0 =	sor.u32 s3, s0;
	s1 =	sshll.u32 s1, $0x11  }
0xbc: {  	s0 =	sor.u32 s1, s0  }
0xbd: {  	s0 =	sadd.s32 $0x8F2B, s0  }
0xbe: {  	[sflag:s0] =	ssyncadd.remote.s32 $0x1  }
0xbf: {  	_ =	sfence.sel $0xFFFF  }
0xc0: {  	[dreg:$0x0] =	wrdreg $0xFFFFFFFF;
	(pc) =	sbr.abs _section_cstart, $3  }
0xc1: {  	[dreg:$0x1] =	wrdreg $0xFFFFFFFF  }
0xc2: {  	_ =	task.clear_ibuf [dreg:s8], $0x2FFFF;
	_ =	strace $0x9FFFFFFF  }
0xc3: {  	(tm) =	ssettm $0x7FFFFFFF  }
tec
execute0_lowered:
.L_overlay_start_1:
0x0: {  	(tag) =	ssettag $0x1  }
0x1: {  	s4 =	rddreg [dreg:$0x0]  }
0x2: {  	s3 =	rddreg [dreg:$0x1]  }
0x3: {  	s2 =	srdreg.scid;
	s1 =	stileid.u32  }
0x4: {  	s0 =	rddreg [dreg:$0x2];
	s9 =	simm.s32 $0x1;
	s10 =	simm.s32 $0x8000  }
0x5: {  	s11 =	simm.s32 $0xC100;
	s12 =	simm.s32 $0x4000;
	s13 =	simm.s32 $0x2  }
0x6: {  	s14 =	simm.s32 $0x0;
	s5 =	sand.u32 $0x1, s2;
	s30 =	sshll.u32 s1, $0x6  }
0x7: {  	s7 =	sshll.u32 s1, $0xC;
	s2 =	simm.s32 $0x0;
	s6 =	sshll.u32 s5, $0x5  }
0x8: {  	s8 =	sand.u32 $0x40, s30;
	s7 =	sand.u32 $0xE000, s7;
	[smem:$0x7FF] =	sst s2  }
0x9: {  	s5 =	ssub.s32 $0x2, s5;
	s6 =	sor.u32 s6, s8;
	_ =	strace $0x80000047  }
0xa: {  	s31 =	sshrl.u32 s5, $0x1;
	s8 =	simm.s32 $0x400;
	s6 =	sor.u32 s7, s6  }
0xb: {  	s7 =	ssub.s32 s5, s31;
	s3 =	sadd.s32 s3, s6;
	s4 =	sadd.s32 s4, s6  }
0xc: {  	v0 =	vimm.f32 $0.0e+00;
	v1 =	vlaneseq.u32;
	v2 =	vimm.f32 $-1.000000020e+30;
	s6 =	smax.u32 s7, $0x1;
	s7 =	simm.s32 $0x100;
	s5 =	sadd.s32 $0x10, s3  }
.LBB2_1:
0xd: {  	[tilespmem:s2], [sflag:$0x1] =	stream.strided.gather [hbm4b:s4+s7], $0x4000, s8, s7, $0x38;
	[tilespmem:$0x10A00] =	vst v63  }
0xe: {  	s15 =	simm.s32 $0x0;
	s16 =	simm.s32 $0x400  }
.LBB2_2:
0xf: {  	p0 =	sne.s32 s16, $0xFC00;
	[tilespmem:s15+$0x40F0] =	vst v0  }
0x10: {  	[tilespmem:s15+$0x4000] =	vst v0  }
0x11: {  	[tilespmem:s15+$0x4010] =	vst v0  }
0x12: {  	[tilespmem:s15+$0x4020] =	vst v0  }
0x13: {  	[tilespmem:s15+$0x4030] =	vst v0  }
0x14: {  	[tilespmem:s15+$0x4040] =	vst v0  }
0x15: {  	[tilespmem:s15+$0x4050] =	vst v0  }
0x16: {  	[tilespmem:s15+$0x4060] =	vst v0  }
0x17: {  	[tilespmem:s15+$0x4070] =	vst v0  }
0x18: {  	[tilespmem:s15+$0x4080] =	vst v0  }
0x19: {  	[tilespmem:s15+$0x4090] =	vst v0  }
.Ltmp0:
0x1a: {  	[tilespmem:s15+$0x40A0] =	vst v0;
	(pc) =	sbr.rel @p0 .LBB2_2-.Ltmp0, $4  }
0x1b: {  	[tilespmem:s15+$0x40B0] =	vst v0  }
0x1c: {  	[tilespmem:s15+$0x40C0] =	vst v0  }
0x1d: {  	[tilespmem:s15+$0x40D0] =	vst v0  }
0x1e: {  	[tilespmem:s15+$0x40E0] =	vst v0;
	s15 =	sshra.s32 s16, $0x2;
	s16 =	sadd.s32 $0x400, s16  }
0x1f: {  	[tilespmem:s15+$0x40F0] =	vst v0  }
0x20: {  	[tilespmem:s15+$0x4000] =	vst v0  }
0x21: {  	[tilespmem:s15+$0x4010] =	vst v0  }
0x22: {  	[tilespmem:s15+$0x4020] =	vst v0  }
0x23: {  	[tilespmem:s15+$0x4030] =	vst v0  }
0x24: {  	[tilespmem:s15+$0x4040] =	vst v0  }
0x25: {  	[tilespmem:s15+$0x4050] =	vst v0  }
0x26: {  	[tilespmem:s15+$0x4060] =	vst v0  }
0x27: {  	[tilespmem:s15+$0x4070] =	vst v0  }
0x28: {  	[tilespmem:s15+$0x4080] =	vst v0  }
0x29: {  	[tilespmem:s15+$0x4090] =	vst v0  }
0x2a: {  	[tilespmem:s15+$0x40A0] =	vst v0  }
0x2b: {  	[tilespmem:s15+$0x40B0] =	vst v0  }
0x2c: {  	[tilespmem:s15+$0x40C0] =	vst v0  }
0x2d: {  	[tilespmem:s15+$0x40D0] =	vst v0  }
0x2e: {  	[tilespmem:s15+$0x40E0] =	vst v0  }
0x2f: {  	_ =	swait.ge [sflag:s9], $0x4000  }
0x30: {  	[sflag:s9] =	ssyncset.done $0x0  }
0x31: {  	s15 =	simm.s32 $0x80;
	[sflag:s9] =	ssyncadd.s32 $0xFFFFC000  }
0x32: {  	v3 =	vld [tilespmem:s15+$0xFFFFFF80]  }
0x33: {  	v4 =	vld [tilespmem:s15+$0xFFFFFFF0]  }
0x34: {  	v5 =	vld [tilespmem:s15+$0xFFFFFFE0]  }
0x35: {  	v6 =	vld [tilespmem:s15+$0xFFFFFFD0]  }
0x36: {  	v7 =	vld [tilespmem:s15+$0xFFFFFFC0]  }
0x37: {  	v8 =	vld [tilespmem:s15+$0xFFFFFFB0]  }
0x38: {  	v9 =	vld [tilespmem:s15+$0xFFFFFFA0]  }
0x39: {  	v10 =	vld [tilespmem:s15+$0xFFFFFF90];
	_ =	sdelay $0x3  }
0x3a: {  	v4 =	vmax.f32 v5, v4  }
0x3b: {  	s17 =	simm.s32 $0x0;
	v5 =	vmax.f32 v7, v6;
	v6 =	vmax.f32 v9, v8;
	v3 =	vmax.f32 v3, v10  }
0x3c: {  	s16 =	sand.u32 $0x70, s17;
	s18 =	sand.u32 $0x700, s17;
	v3 =	vmax.f32 v3, v6;
	v4 =	vmax.f32 v5, v4  }
0x3d: {  	s16 =	sor.u32 s16, s18;
	v4 =	vmax.f32 v3, v4  }
0x3e: {  	[tilespmem:s16+$0x10200] =	vst v4  }
0x3f: {  	v7 =	vld [tilespmem:s15+$0x70]  }
0x40: {  	v10 =	vld [tilespmem:s15+$0x50]  }
0x41: {  	v9 =	vld [tilespmem:s15+$0x20]  }
0x42: {  	v8 =	vld [tilespmem:s15+$0x10]  }
0x43: {  	v11 =	vld [tilespmem:s15+$0x60]  }
0x44: {  	v3 =	vimm.f32 $-1.000000020e+30;
	v13 =	vld [tilespmem:s15+$0x40]  }
0x45: {  	v5 =	vmin.f32 v3, v4;
	v12 =	vld [tilespmem:s15+$0x30]  }
0x46: {  	s18 =	simm.s32 $0x10;
	v6 =	vmax.f32 v3, v4;
	v4 =	vimm.f32 $-1.000000020e+30;
	v5 =	vmax.f32 v3, v5;
	v14 =	vld [tilespmem:s15+$0x0]  }
.LBB2_4:
0x47: {  	_ = 	snop  }
0x48: {  	p0 =	sne.s32 s18, $0x3F0;
	s17 =	sadd.s32 $0x20, s17;
	s15 =	sadd.s32 $0x100, s15  }
0x49: {  	s19 =	smov.u32 s18;
	s18 =	sadd.s32 $0x10, s18;
	v10 =	vmax.f32 v13, v10  }
0x4a: {  	v7 =	vmax.f32 v11, v7;
	v9 =	vmax.f32 v9, v12  }
0x4b: {  	v7 =	vmax.f32 v10, v7;
	v8 =	vmax.f32 v14, v8  }
0x4c: {  	v8 =	vmax.f32 v8, v9  }
0x4d: {  	s16 =	sadd.s32 $0x10200, s16;
	v7 =	vmax.f32 v8, v7  }
0x4e: {  	[tilespmem:s16+$0x80] =	vst v7;
	v8 =	vmin.f32 v3, v7;
	v3 =	vmax.f32 v3, v7  }
0x4f: {  	v7 =	vld [tilespmem:s15+$0xFFFFFF80];
	v4 =	vmax.f32 v4, v8  }
0x50: {  	v8 =	vld [tilespmem:s15+$0xFFFFFFF0]  }
0x51: {  	v9 =	vld [tilespmem:s15+$0xFFFFFFE0]  }
0x52: {  	v10 =	vld [tilespmem:s15+$0xFFFFFFD0]  }
0x53: {  	v11 =	vld [tilespmem:s15+$0xFFFFFFC0]  }
0x54: {  	v12 =	vld [tilespmem:s15+$0xFFFFFFB0]  }
0x55: {  	v13 =	vld [tilespmem:s15+$0xFFFFFFA0]  }
0x56: {  	v14 =	vld [tilespmem:s15+$0xFFFFFF90];
	v8 =	vmax.f32 v9, v8;
	_ =	sdelay $0x1  }
0x57: {  	v9 =	vmax.f32 v11, v10;
	_ =	sdelay $0x1  }
0x58: {  	v10 =	vmax.f32 v13, v12  }
0x59: {  	v7 =	vmax.f32 v7, v14  }
0x5a: {  	s16 =	sand.u32 $0x70, s19;
	s19 =	sand.u32 $0x700, s17;
	v8 =	vmax.f32 v9, v8;
	v7 =	vmax.f32 v7, v10  }
0x5b: {  	s16 =	sor.u32 s16, s19;
	v7 =	vmax.f32 v7, v8  }
0x5c: {  	[tilespmem:s16+$0x10200] =	vst v7;
	v8 =	vmin.f32 v6, v7;
	v6 =	vmax.f32 v6, v7  }
0x5d: {  	v5 =	vmax.f32 v5, v8;
	v7 =	vld [tilespmem:s15+$0x70]  }
0x5e: {  	v10 =	vld [tilespmem:s15+$0x50]  }
0x5f: {  	v9 =	vld [tilespmem:s15+$0x20]  }
.Ltmp1:
0x60: {  	v8 =	vld [tilespmem:s15+$0x10];
	(pc) =	sbr.rel @p0 .LBB2_4-.Ltmp1, $4  }
0x61: {  	v11 =	vld [tilespmem:s15+$0x60]  }
0x62: {  	v13 =	vld [tilespmem:s15+$0x40]  }
0x63: {  	v12 =	vld [tilespmem:s15+$0x30]  }
0x64: {  	v14 =	vld [tilespmem:s15+$0x0]  }
0x65: {  	(xrf0) =	vmax.scan.msk.f32 $0xffff, v6;
	_ =	sdelay $0x5  }
0x66: {  	v15, _, _ =	vpop (xrf0)  }
0x67: {  	v16 =	vbroadcast v15, $0xF  }
0x68: {  	v7 =	vmax.f32 v11, v7;
	v10 =	vmax.f32 v13, v10  }
0x69: {  	v9 =	vmax.f32 v9, v12;
	v8 =	vmax.f32 v14, v8;
	vm0 =	veq.f32 v6, v16  }
0x6a: {  	v7 =	vmax.f32 v10, v7;
	v8 =	vmax.f32 v8, v9;
	v6 =	vsel vm0, $0xF149F2CA, v6  }
0x6b: {  	v7 =	vmax.f32 v8, v7;
	(xrf0) =	vmax.scan.msk.f32 $0xffff, v6  }
0x6c: {  	v6 =	vmax.f32 v3, v7;
	(xrf0) =	vmax.scan.msk.f32 $0xffff, v5  }
0x6d: {  	(xrf0) =	vmax.scan.msk.f32 $0xffff, v6;
	_ =	sdelay $0x3  }
0x6e: {  	v5, _, _ =	vpop (xrf0)  }
0x6f: {  	v8, _, _ =	vpop (xrf0)  }
0x70: {  	v62, _, _ =	vpop (xrf0)  }
0x71: {  	v63 =	vbroadcast v62, $0xF;
	_ =	sdelay $0x1  }
0x72: {  	vm15 =	veq.f32 v6, v63  }
0x73: {  	v3 =	vmin.f32 v3, v7;
	v6 =	vsel vm15, $0xF149F2CA, v6  }
0x74: {  	v3 =	vmax.f32 v4, v3;
	(xrf0) =	vmax.scan.msk.f32 $0xffff, v6  }
0x75: {  	(xrf0) =	vmax.scan.msk.f32 $0xffff, v3;
	_ =	sdelay $0x1  }
0x76: {  	(v2sf) =	vpush v15, $0xF  }
0x77: {  	(v2sf) =	vpush v5, $0xF  }
0x78: {  	(v2sf) =	vpush v8, $0xF  }
0x79: {  	(v2sf) =	vpush v62, $0xF;
	v3, _, _ =	vpop (xrf0)  }
0x7a: {  	(v2sf) =	vpush v3, $0xF;
	v3, _, _ =	vpop (xrf0)  }
0x7b: {  	(v2sf) =	vpush v3, $0xF;
	_ =	sdelay $0x9  }
0x7c: {  	s15 =	spop (v2sf)  }
0x7d: {  	s17 =	spop (v2sf)  }
0x7e: {  	s18 =	spop (v2sf)  }
0x7f: {  	s19 =	spop (v2sf);
	s17 =	smax.f32 s17, s18  }
0x80: {  	s17 =	sadd.f32 s17, s15;
	s20 =	spop (v2sf)  }
0x81: {  	s30 =	spop (v2sf)  }
0x82: {  	s17 =	sadd.f32 $-1.000000000e+00, s17;
	s18 =	smax.f32 s20, s30  }
0x83: {  	s18 =	sadd.f32 s18, s19;
	_ =	sdelay $0x1  }
0x84: {  	s17 =	smul.f32 $5.000000000e-01, s17;
	s18 =	sadd.f32 $-1.000000000e+00, s18  }
.Ltmp2:
0x85: {  	s15 =	sadd.f32 $-1.000000000e+00, s15;
	(pc) =	sbr.rel .LBB2_6-.Ltmp2, $4  }
0x86: {  	s19 =	sadd.f32 $-1.000000000e+00, s19;
	s18 =	smul.f32 $5.000000000e-01, s18  }
0x87: {  	s16 =	sadd.s32 $0x10200, s16  }
0x88: {  	[tilespmem:s16+$0x80] =	vst v7;
	s16 =	simm.s32 $0x0;
	v5 =	vimm.s32 $0x0;
	s15 =	smax.f32 s15, s17;
	s31 =	smax.f32 s19, s18  }
0x89: {  	v6 =	vimm.s32 $0x0;
	s17 =	simm.s32 $0x80;
	v4 =	vmov s15;
	s15 =	simm.s32 $0x70;
	s18 =	simm.s32 $0x0;
	v3 =	vmov s31  }
.LBB2_8:
0x8a: {  	s15 =	sadd.s32 $0x80, s15  }
0x8b: {  	p0 =	sne.s32 s15, $0x2070  }
.Ltmp3:
0x8c: {  	_ = 	snop;
	(pc) =	sbr.rel @!p0 .LBB2_9-.Ltmp3, $2  }
0x8d: {  	_ =	sdelay $0x2  }
0x8e: {  	s18 =	sadd.s32 $0x20, s18;
	s16 =	sadd.s32 $0x10, s16;
	s17 =	sadd.s32 $0x100, s17  }
.LBB2_6:
0x8f: {  	s19 =	sand.u32 $0x70, s16;
	s20 =	sand.u32 $0x700, s18  }
0x90: {  	s19 =	sor.u32 s19, s20  }
0x91: {  	s20 =	sadd.s32 $0x10200, s19;
	v7 =	vld [tilespmem:s19+$0x10200]  }
0x92: {  	v8 =	vld [tilespmem:s20+$0x80];
	_ =	sdelay $0x4  }
0x93: {  	vm0 =	vgt.f32 v7, v4;
	vm1 =	vgt.f32 v8, v3  }
0x94: {  	vm0 =	vmor vm0, vm1  }
0x95: {  	v7 =	vsel vm0, $0x3F800000, v0  }
0x96: {  	(xrf0) =	vmax.scan.msk.f32 $0xffff, v7;
	_ =	sdelay $0x5  }
0x97: {  	v7, _, _ =	vpop (xrf0)  }
0x98: {  	(v2sf) =	vpush v7, $0xF;
	_ =	sdelay $0xe  }
0x99: {  	s31 =	spop (v2sf)  }
0x9a: {  	p0 =	sgt.f32 s31, $0.0e+00  }
.Ltmp4:
0x9b: {  	_ = 	snop;
	(pc) =	sbr.rel @!p0 .LBB2_8-.Ltmp4, $1  }
0x9c: {  	_ =	sdelay $0x3  }
0x9d: {  	v7 =	vld [tilespmem:s17+$0xFFFFFF80];
	_ =	sdelay $0x4  }
0x9e: {  	vm1 =	vgt.f32 v7, v4  }
0x9f: {  	v8 =	vsel vm1, $0x3F800000, v0  }
0xa0: {  	(xrf2) =	vadd.scan.msk.f32 $0xffff, v8;
	_ =	sdelay $0x9  }
0xa1: {  	v8, _, _ =	vpop (xrf2)  }
0xa2: {  	v8 =	vtrunc.f32 v8  }
0xa3: {  	v8 =	vcvt.f32.s32 v8;
	_ =	sdelay $0x1  }
0xa4: {  	v8 =	vadd.s32 v8, v6  }
0xa5: {  	v8 =	vadd.s32 $0xFFFFFFFF, v8  }
0xa6: {  	v9 =	vshll.u32 v8, $0x1  }
0xa7: {  	v8 =	vand.u32 $0x7F, v8;
	v9 =	vand.u32 $0xFFFFFF00, v9  }
0xa8: {  	v8 =	vor.u32 v8, v9;
	_ =	sdelay $0x3  }
0xa9: {  	s19 =	sadd.s32 $0xFFFFFF90, s15  }
0xaa: {  	[tilespmem:v8+s10+$0x0] =	vst.idx.msk vm1, v7;
	v7 =	vor.u32 s19, v1  }
0xab: {  	[tilespmem:v8+s11+$0x0] =	vst.idx.msk vm1, v7  }
0xac: {  	v8 =	vld [tilespmem:s17+$0x0];
	_ =	sdelay $0x4  }
0xad: {  	vm2 =	vgt.f32 v8, v3  }
0xae: {  	v27 =	vsel vm2, $0x3F800000, v0  }
0xaf: {  	(xrf2) =	vadd.scan.msk.f32 $0xffff, v27;
	_ =	sdelay $0x9  }
0xb0: {  	v9, _, _ =	vpop (xrf2)  }
0xb1: {  	v9 =	vtrunc.f32 v9  }
0xb2: {  	v9 =	vcvt.f32.s32 v9;
	_ =	sdelay $0x1  }
0xb3: {  	v9 =	vadd.s32 v9, v5  }
0xb4: {  	v9 =	vadd.s32 $0xFFFFFFFF, v9  }
0xb5: {  	v10 =	vshll.u32 v9, $0x1  }
0xb6: {  	v9 =	vand.u32 $0x7F, v9;
	v10 =	vand.u32 $0xFFFFFF00, v10  }
0xb7: {  	v9 =	vor.u32 v10, v9  }
0xb8: {  	v9 =	vor.u32 $0x80, v9;
	_ =	sdelay $0x4  }
0xb9: {  	[tilespmem:v9+s10+$0x0] =	vst.idx.msk vm2, v8  }
0xba: {  	[tilespmem:v9+s11+$0x0] =	vst.idx.msk vm2, v7  }
0xbb: {  	v7 =	vld [tilespmem:s17+$0xFFFFFF90];
	_ =	sdelay $0x4  }
0xbc: {  	vm0 =	vgt.f32 v7, v4  }
0xbd: {  	v8 =	vsel vm0, $0x3F800000, v0  }
0xbe: {  	(xrf2) =	vadd.scan.msk.f32 $0xffff, v8;
	_ =	sdelay $0x9  }
0xbf: {  	v8, _, _ =	vpop (xrf2)  }
0xc0: {  	v28 =	vmpcnt.ones.xlane vm1;
	v8 =	vtrunc.f32 v8  }
0xc1: {  	v8 =	vcvt.f32.s32 v8  }
0xc2: {  	v6 =	vadd.s32 v6, v28  }
0xc3: {  	v8 =	vadd.s32 v8, v6  }
0xc4: {  	v8 =	vadd.s32 $0xFFFFFFFF, v8  }
0xc5: {  	v29 =	vshll.u32 v8, $0x1  }
0xc6: {  	v8 =	vand.u32 $0x7F, v8;
	v9 =	vand.u32 $0xFFFFFF00, v29  }
0xc7: {  	v8 =	vor.u32 v8, v9;
	_ =	sdelay $0x3  }
0xc8: {  	s25 =	sadd.s32 $0xFFFFFFA0, s15  }
0xc9: {  	[tilespmem:v8+s10+$0x0] =	vst.idx.msk vm0, v7;
	v7 =	vor.u32 s25, v1  }
0xca: {  	[tilespmem:v8+s11+$0x0] =	vst.idx.msk vm0, v7  }
0xcb: {  	v8 =	vld [tilespmem:s17+$0x10];
	_ =	sdelay $0x4  }
0xcc: {  	vm15 =	vgt.f32 v8, v3  }
0xcd: {  	v30 =	vsel vm15, $0x3F800000, v0  }
0xce: {  	(xrf2) =	vadd.scan.msk.f32 $0xffff, v30;
	_ =	sdelay $0x9  }
0xcf: {  	v9, _, _ =	vpop (xrf2)  }
0xd0: {  	v31 =	vmpcnt.ones.xlane vm2;
	v9 =	vtrunc.f32 v9  }
0xd1: {  	v9 =	vcvt.f32.s32 v9  }
0xd2: {  	v5 =	vadd.s32 v5, v31  }
0xd3: {  	v9 =	vadd.s32 v9, v5  }
0xd4: {  	v9 =	vadd.s32 $0xFFFFFFFF, v9  }
0xd5: {  	v32 =	vshll.u32 v9, $0x1  }
0xd6: {  	v9 =	vand.u32 $0x7F, v9;
	v10 =	vand.u32 $0xFFFFFF00, v32  }
0xd7: {  	v9 =	vor.u32 v10, v9  }
0xd8: {  	v9 =	vor.u32 $0x80, v9;
	_ =	sdelay $0x4  }
0xd9: {  	[tilespmem:v9+s10+$0x0] =	vst.idx.msk vm15, v8  }
0xda: {  	[tilespmem:v9+s11+$0x0] =	vst.idx.msk vm15, v7  }
0xdb: {  	v7 =	vld [tilespmem:s17+$0xFFFFFFA0];
	_ =	sdelay $0x4  }
0xdc: {  	vm4 =	vgt.f32 v7, v4  }
0xdd: {  	v8 =	vsel vm4, $0x3F800000, v0  }
0xde: {  	(xrf2) =	vadd.scan.msk.f32 $0xffff, v8;
	_ =	sdelay $0x9  }
0xdf: {  	v8, _, _ =	vpop (xrf2)  }
0xe0: {  	v33 =	vmpcnt.ones.xlane vm0;
	v8 =	vtrunc.f32 v8  }
0xe1: {  	v8 =	vcvt.f32.s32 v8  }
0xe2: {  	v6 =	vadd.s32 v6, v33  }
0xe3: {  	v8 =	vadd.s32 v8, v6  }
0xe4: {  	v8 =	vadd.s32 $0xFFFFFFFF, v8  }
0xe5: {  	v34 =	vshll.u32 v8, $0x1  }
0xe6: {  	v8 =	vand.u32 $0x7F, v8;
	v9 =	vand.u32 $0xFFFFFF00, v34  }
0xe7: {  	v8 =	vor.u32 v8, v9;
	_ =	sdelay $0x3  }
0xe8: {  	s26 =	sadd.s32 $0xFFFFFFB0, s15  }
0xe9: {  	[tilespmem:v8+s10+$0x0] =	vst.idx.msk vm4, v7;
	v7 =	vor.u32 s26, v1  }
0xea: {  	[tilespmem:v8+s11+$0x0] =	vst.idx.msk vm4, v7  }
0xeb: {  	v8 =	vld [tilespmem:s17+$0x20];
	_ =	sdelay $0x4  }
0xec: {  	vm5 =	vgt.f32 v8, v3  }
0xed: {  	v35 =	vsel vm5, $0x3F800000, v0  }
0xee: {  	(xrf2) =	vadd.scan.msk.f32 $0xffff, v35;
	_ =	sdelay $0x9  }
0xef: {  	v9, _, _ =	vpop (xrf2)  }
0xf0: {  	v36 =	vmpcnt.ones.xlane vm15;
	v9 =	vtrunc.f32 v9  }
0xf1: {  	v9 =	vcvt.f32.s32 v9  }
0xf2: {  	v5 =	vadd.s32 v5, v36  }
0xf3: {  	v9 =	vadd.s32 v9, v5  }
0xf4: {  	v9 =	vadd.s32 $0xFFFFFFFF, v9  }
0xf5: {  	v37 =	vshll.u32 v9, $0x1  }
0xf6: {  	v9 =	vand.u32 $0x7F, v9;
	v10 =	vand.u32 $0xFFFFFF00, v37  }
0xf7: {  	v9 =	vor.u32 v10, v9  }
0xf8: {  	v9 =	vor.u32 $0x80, v9;
	_ =	sdelay $0x4  }
0xf9: {  	[tilespmem:v9+s10+$0x0] =	vst.idx.msk vm5, v8  }
0xfa: {  	[tilespmem:v9+s11+$0x0] =	vst.idx.msk vm5, v7  }
0xfb: {  	v7 =	vld [tilespmem:s17+$0xFFFFFFB0];
	_ =	sdelay $0x4  }
0xfc: {  	vm6 =	vgt.f32 v7, v4  }
0xfd: {  	v8 =	vsel vm6, $0x3F800000, v0  }
0xfe: {  	(xrf2) =	vadd.scan.msk.f32 $0xffff, v8;
	_ =	sdelay $0x9  }
0xff: {  	v8, _, _ =	vpop (xrf2)  }
0x100: {  	v38 =	vmpcnt.ones.xlane vm4;
	v8 =	vtrunc.f32 v8  }
0x101: {  	v8 =	vcvt.f32.s32 v8  }
0x102: {  	v6 =	vadd.s32 v6, v38  }
0x103: {  	v8 =	vadd.s32 v8, v6  }
0x104: {  	v8 =	vadd.s32 $0xFFFFFFFF, v8  }
0x105: {  	v39 =	vshll.u32 v8, $0x1  }
0x106: {  	v8 =	vand.u32 $0x7F, v8;
	v9 =	vand.u32 $0xFFFFFF00, v39  }
0x107: {  	v8 =	vor.u32 v8, v9;
	_ =	sdelay $0x3  }
0x108: {  	s28 =	sadd.s32 $0xFFFFFFC0, s15  }
0x109: {  	[tilespmem:v8+s10+$0x0] =	vst.idx.msk vm6, v7;
	v7 =	vor.u32 s28, v1  }
0x10a: {  	[tilespmem:v8+s11+$0x0] =	vst.idx.msk vm6, v7  }
0x10b: {  	v8 =	vld [tilespmem:s17+$0x30];
	_ =	sdelay $0x4  }
0x10c: {  	vm7 =	vgt.f32 v8, v3  }
0x10d: {  	v40 =	vsel vm7, $0x3F800000, v0  }
0x10e: {  	(xrf2) =	vadd.scan.msk.f32 $0xffff, v40;
	_ =	sdelay $0x9  }
0x10f: {  	v9, _, _ =	vpop (xrf2)  }
0x110: {  	v41 =	vmpcnt.ones.xlane vm5;
	v9 =	vtrunc.f32 v9  }
0x111: {  	v9 =	vcvt.f32.s32 v9  }
0x112: {  	v5 =	vadd.s32 v5, v41  }
0x113: {  	v9 =	vadd.s32 v9, v5  }
0x114: {  	v9 =	vadd.s32 $0xFFFFFFFF, v9  }
0x115: {  	v42 =	vshll.u32 v9, $0x1  }
0x116: {  	v9 =	vand.u32 $0x7F, v9;
	v10 =	vand.u32 $0xFFFFFF00, v42  }
0x117: {  	v9 =	vor.u32 v10, v9  }
0x118: {  	v9 =	vor.u32 $0x80, v9;
	_ =	sdelay $0x4  }
0x119: {  	[tilespmem:v9+s10+$0x0] =	vst.idx.msk vm7, v8  }
0x11a: {  	[tilespmem:v9+s11+$0x0] =	vst.idx.msk vm7, v7  }
0x11b: {  	v7 =	vld [tilespmem:s17+$0xFFFFFFC0];
	_ =	sdelay $0x4  }
0x11c: {  	vm8 =	vgt.f32 v7, v4  }
0x11d: {  	v8 =	vsel vm8, $0x3F800000, v0  }
0x11e: {  	(xrf2) =	vadd.scan.msk.f32 $0xffff, v8;
	_ =	sdelay $0x9  }
0x11f: {  	v8, _, _ =	vpop (xrf2)  }
0x120: {  	v43 =	vmpcnt.ones.xlane vm6;
	v8 =	vtrunc.f32 v8  }
0x121: {  	v8 =	vcvt.f32.s32 v8  }
0x122: {  	v6 =	vadd.s32 v6, v43  }
0x123: {  	v8 =	vadd.s32 v8, v6  }
0x124: {  	v8 =	vadd.s32 $0xFFFFFFFF, v8  }
0x125: {  	v44 =	vshll.u32 v8, $0x1  }
0x126: {  	v8 =	vand.u32 $0x7F, v8;
	v9 =	vand.u32 $0xFFFFFF00, v44  }
0x127: {  	v8 =	vor.u32 v8, v9;
	_ =	sdelay $0x3  }
0x128: {  	s29 =	sadd.s32 $0xFFFFFFD0, s15  }
0x129: {  	[tilespmem:v8+s10+$0x0] =	vst.idx.msk vm8, v7;
	v7 =	vor.u32 s29, v1  }
0x12a: {  	[tilespmem:v8+s11+$0x0] =	vst.idx.msk vm8, v7  }
0x12b: {  	v8 =	vld [tilespmem:s17+$0x40];
	_ =	sdelay $0x4  }
0x12c: {  	vm9 =	vgt.f32 v8, v3  }
0x12d: {  	v45 =	vsel vm9, $0x3F800000, v0  }
0x12e: {  	(xrf2) =	vadd.scan.msk.f32 $0xffff, v45;
	_ =	sdelay $0x9  }
0x12f: {  	v9, _, _ =	vpop (xrf2)  }
0x130: {  	v46 =	vmpcnt.ones.xlane vm7;
	v9 =	vtrunc.f32 v9  }
0x131: {  	v9 =	vcvt.f32.s32 v9  }
0x132: {  	v5 =	vadd.s32 v5, v46  }
0x133: {  	v9 =	vadd.s32 v9, v5  }
0x134: {  	v9 =	vadd.s32 $0xFFFFFFFF, v9  }
0x135: {  	v47 =	vshll.u32 v9, $0x1  }
0x136: {  	v9 =	vand.u32 $0x7F, v9;
	v10 =	vand.u32 $0xFFFFFF00, v47  }
0x137: {  	v9 =	vor.u32 v10, v9  }
0x138: {  	v9 =	vor.u32 $0x80, v9;
	_ =	sdelay $0x4  }
0x139: {  	[tilespmem:v9+s10+$0x0] =	vst.idx.msk vm9, v8  }
0x13a: {  	[tilespmem:v9+s11+$0x0] =	vst.idx.msk vm9, v7  }
0x13b: {  	v7 =	vld [tilespmem:s17+$0xFFFFFFD0];
	_ =	sdelay $0x4  }
0x13c: {  	vm10 =	vgt.f32 v7, v4  }
0x13d: {  	v8 =	vsel vm10, $0x3F800000, v0  }
0x13e: {  	(xrf2) =	vadd.scan.msk.f32 $0xffff, v8;
	_ =	sdelay $0x9  }
0x13f: {  	v8, _, _ =	vpop (xrf2)  }
0x140: {  	v48 =	vmpcnt.ones.xlane vm8;
	v8 =	vtrunc.f32 v8  }
0x141: {  	v8 =	vcvt.f32.s32 v8  }
0x142: {  	v6 =	vadd.s32 v6, v48  }
0x143: {  	v8 =	vadd.s32 v8, v6  }
0x144: {  	v8 =	vadd.s32 $0xFFFFFFFF, v8  }
0x145: {  	v49 =	vshll.u32 v8, $0x1  }
0x146: {  	v8 =	vand.u32 $0x7F, v8;
	v9 =	vand.u32 $0xFFFFFF00, v49  }
0x147: {  	v8 =	vor.u32 v8, v9;
	_ =	sdelay $0x3  }
0x148: {  	s30 =	sadd.s32 $0xFFFFFFE0, s15  }
0x149: {  	[tilespmem:v8+s10+$0x0] =	vst.idx.msk vm10, v7;
	v7 =	vor.u32 s30, v1  }
0x14a: {  	[tilespmem:v8+s11+$0x0] =	vst.idx.msk vm10, v7  }
0x14b: {  	v8 =	vld [tilespmem:s17+$0x50];
	_ =	sdelay $0x4  }
0x14c: {  	vm11 =	vgt.f32 v8, v3  }
0x14d: {  	v50 =	vsel vm11, $0x3F800000, v0  }
0x14e: {  	(xrf2) =	vadd.scan.msk.f32 $0xffff, v50;
	_ =	sdelay $0x9  }
0x14f: {  	v9, _, _ =	vpop (xrf2)  }
0x150: {  	v51 =	vmpcnt.ones.xlane vm9;
	v9 =	vtrunc.f32 v9  }
0x151: {  	v9 =	vcvt.f32.s32 v9  }
0x152: {  	v5 =	vadd.s32 v5, v51  }
0x153: {  	v9 =	vadd.s32 v9, v5  }
0x154: {  	v9 =	vadd.s32 $0xFFFFFFFF, v9  }
0x155: {  	v52 =	vshll.u32 v9, $0x1  }
0x156: {  	v9 =	vand.u32 $0x7F, v9;
	v10 =	vand.u32 $0xFFFFFF00, v52  }
0x157: {  	v9 =	vor.u32 v10, v9  }
0x158: {  	v9 =	vor.u32 $0x80, v9;
	_ =	sdelay $0x4  }
0x159: {  	[tilespmem:v9+s10+$0x0] =	vst.idx.msk vm11, v8  }
0x15a: {  	[tilespmem:v9+s11+$0x0] =	vst.idx.msk vm11, v7  }
0x15b: {  	v7 =	vld [tilespmem:s17+$0xFFFFFFE0];
	_ =	sdelay $0x4  }
0x15c: {  	vm12 =	vgt.f32 v7, v4  }
0x15d: {  	v8 =	vsel vm12, $0x3F800000, v0  }
0x15e: {  	(xrf2) =	vadd.scan.msk.f32 $0xffff, v8;
	_ =	sdelay $0x9  }
0x15f: {  	v8, _, _ =	vpop (xrf2)  }
0x160: {  	v53 =	vmpcnt.ones.xlane vm10;
	v8 =	vtrunc.f32 v8  }
0x161: {  	v8 =	vcvt.f32.s32 v8  }
0x162: {  	v6 =	vadd.s32 v6, v53  }
0x163: {  	v8 =	vadd.s32 v8, v6  }
0x164: {  	v8 =	vadd.s32 $0xFFFFFFFF, v8  }
0x165: {  	v54 =	vshll.u32 v8, $0x1  }
0x166: {  	v8 =	vand.u32 $0x7F, v8;
	v9 =	vand.u32 $0xFFFFFF00, v54  }
0x167: {  	v8 =	vor.u32 v8, v9;
	_ =	sdelay $0x3  }
0x168: {  	s31 =	sadd.s32 $0xFFFFFFF0, s15  }
0x169: {  	[tilespmem:v8+s10+$0x0] =	vst.idx.msk vm12, v7;
	v7 =	vor.u32 s31, v1  }
0x16a: {  	[tilespmem:v8+s11+$0x0] =	vst.idx.msk vm12, v7  }
0x16b: {  	v8 =	vld [tilespmem:s17+$0x60];
	_ =	sdelay $0x4  }
0x16c: {  	vm13 =	vgt.f32 v8, v3  }
0x16d: {  	v55 =	vsel vm13, $0x3F800000, v0  }
0x16e: {  	(xrf2) =	vadd.scan.msk.f32 $0xffff, v55;
	_ =	sdelay $0x9  }
0x16f: {  	v9, _, _ =	vpop (xrf2)  }
0x170: {  	v56 =	vmpcnt.ones.xlane vm11;
	v9 =	vtrunc.f32 v9  }
0x171: {  	v9 =	vcvt.f32.s32 v9  }
0x172: {  	v5 =	vadd.s32 v5, v56  }
0x173: {  	v9 =	vadd.s32 v9, v5  }
0x174: {  	v9 =	vadd.s32 $0xFFFFFFFF, v9  }
0x175: {  	v57 =	vshll.u32 v9, $0x1  }
0x176: {  	v9 =	vand.u32 $0x7F, v9;
	v10 =	vand.u32 $0xFFFFFF00, v57  }
0x177: {  	v9 =	vor.u32 v10, v9  }
0x178: {  	v9 =	vor.u32 $0x80, v9;
	_ =	sdelay $0x4  }
0x179: {  	[tilespmem:v9+s10+$0x0] =	vst.idx.msk vm13, v8  }
0x17a: {  	[tilespmem:v9+s11+$0x0] =	vst.idx.msk vm13, v7  }
0x17b: {  	v7 =	vld [tilespmem:s17+$0xFFFFFFF0];
	_ =	sdelay $0x4  }
0x17c: {  	vm14 =	vgt.f32 v7, v4  }
0x17d: {  	v8 =	vsel vm14, $0x3F800000, v0  }
0x17e: {  	(xrf2) =	vadd.scan.msk.f32 $0xffff, v8;
	_ =	sdelay $0x9  }
0x17f: {  	v8, _, _ =	vpop (xrf2)  }
0x180: {  	v58 =	vmpcnt.ones.xlane vm12;
	v8 =	vtrunc.f32 v8  }
0x181: {  	v8 =	vcvt.f32.s32 v8  }
0x182: {  	v6 =	vadd.s32 v6, v58  }
0x183: {  	v8 =	vadd.s32 v8, v6  }
0x184: {  	v8 =	vadd.s32 $0xFFFFFFFF, v8  }
0x185: {  	v59 =	vshll.u32 v8, $0x1  }
0x186: {  	v8 =	vand.u32 $0x7F, v8;
	v9 =	vand.u32 $0xFFFFFF00, v59  }
0x187: {  	v8 =	vor.u32 v8, v9;
	_ =	sdelay $0x4  }
0x188: {  	[tilespmem:v8+s10+$0x0] =	vst.idx.msk vm14, v7;
	v7 =	vor.u32 s15, v1  }
0x189: {  	[tilespmem:v8+s11+$0x0] =	vst.idx.msk vm14, v7  }
0x18a: {  	v8 =	vld [tilespmem:s17+$0x70];
	_ =	sdelay $0x4  }
0x18b: {  	vm15 =	vgt.f32 v8, v3  }
0x18c: {  	v60 =	vsel vm15, $0x3F800000, v0  }
0x18d: {  	(xrf2) =	vadd.scan.msk.f32 $0xffff, v60;
	_ =	sdelay $0x9  }
0x18e: {  	v9, _, _ =	vpop (xrf2)  }
0x18f: {  	v61 =	vmpcnt.ones.xlane vm13;
	v9 =	vtrunc.f32 v9  }
0x190: {  	v9 =	vcvt.f32.s32 v9  }
0x191: {  	v5 =	vadd.s32 v5, v61  }
0x192: {  	v9 =	vadd.s32 v9, v5  }
0x193: {  	v9 =	vadd.s32 $0xFFFFFFFF, v9  }
0x194: {  	v62 =	vshll.u32 v9, $0x1  }
0x195: {  	v9 =	vand.u32 $0x7F, v9;
	v10 =	vand.u32 $0xFFFFFF00, v62  }
0x196: {  	v9 =	vor.u32 v10, v9  }
0x197: {  	v9 =	vor.u32 $0x80, v9;
	_ =	sdelay $0x1  }
.Ltmp5:
0x198: {  	_ = 	snop;
	(pc) =	sbr.rel .LBB2_8-.Ltmp5, $4  }
0x199: {  	_ = 	snop  }
0x19a: {  	v63 =	vmpcnt.ones.xlane vm14;
	v11 =	vmpcnt.ones.xlane vm15  }
0x19b: {  	[tilespmem:v9+s10+$0x0] =	vst.idx.msk vm15, v8  }
0x19c: {  	v6 =	vadd.s32 v6, v63;
	v5 =	vadd.s32 v5, v11;
	[tilespmem:v9+s11+$0x0] =	vst.idx.msk vm15, v7  }
.LBB2_9:
0x19d: {  	v6 =	vcvt.s32.f32 v6;
	_ =	sdelay $0x1  }
0x19e: {  	(xrf0) =	vmax.scan.msk.f32 $0xffff, v6;
	_ =	sdelay $0x5  }
0x19f: {  	v6, _, _ =	vpop (xrf0)  }
0x1a0: {  	(v2sf) =	vpush v6, $0xF;
	_ =	sdelay $0xe  }
0x1a1: {  	s15 =	spop (v2sf)  }
0x1a2: {  	s15 =	scvt.f32.s32 s15  }
.Ltmp6:
0x1a3: {  	_ = 	snop;
	(pc) =	sbr.rel .LBB2_10-.Ltmp6, $4  }
0x1a4: {  	s16 =	sshll.u32 s15, $0x1  }
0x1a5: {  	s17 =	sand.u32 $0x7F, s15;
	s15 =	sadd.s32 $0xF, s15;
	s16 =	sand.u32 $0xFFFFFF00, s16  }
0x1a6: {  	s18 =	simm.f32 $-2.000000000e+00;
	s15 =	sshra.s32 s15, $0x4;
	s16 =	sor.u32 s17, s16  }
0x1a7: {  	p0 =	slt.s32 s15, $0x1;
	s17 =	simm.s32 $0x0;
	[tilespmem:s16+$0x8000] =	vst v2;
	s16 =	simm.s32 $0x0  }
.LBB2_11:
0x1a8: {  	v4 =	vimm.f32 $0.0e+00  }
.LBB2_15:
0x1a9: {  	(xrf2) =	vadd.scan.msk.f32 $0xffff, v6  }
0x1aa: {  	(xrf2) =	vadd.scan.msk.f32 $0xffff, v4;
	_ =	sdelay $0x8  }
0x1ab: {  	v4, _, _ =	vpop (xrf2)  }
0x1ac: {  	(v2sf) =	vpush v4, $0xF;
	v4, _, _ =	vpop (xrf2)  }
0x1ad: {  	(v2sf) =	vpush v4, $0xF;
	_ =	sdelay $0xd  }
0x1ae: {  	s19 =	spop (v2sf)  }
0x1af: {  	s20 =	spop (v2sf)  }
0x1b0: {  	s21 =	smax.f32 s20, $1.000000000e+00  }
0x1b1: {  	v4 =	vmov s21  }
0x1b2: {  	p1 =	slt.f32 s20, s18;
	p2 =	sgt.f32 s20, s18;
	(erf) = vrcp.f32 v4  }
0x1b3: {  	_ = 	snop  }
0x1b4: {  	p1 =	por p2, p1  }
0x1b5: {  	p1 =	por !p1, !p1  }
0x1b6: {  	p2 =	slt.u32 @!p1 s17, $0x7F  }
0x1b7: {  	p1 =	por p1, !p2  }
.Ltmp7:
0x1b8: {  	_ = 	snop;
	(pc) =	sbr.rel @p1 .LBB2_16-.Ltmp7, $4  }
0x1b9: {  	_ = 	snop  }
0x1ba: {  	s31 =	sadd.f32 $-1.000000000e+00, s19  }
0x1bb: {  	v4 =	vpop (erf)  }
0x1bc: {  	s18 =	smov.u32 s20;
	s17 =	sadd.s32 $0x1, s17;
	v4 =	vmul.f32 s31, v4  }
.LBB2_10:
.Ltmp8:
0x1bd: {  	(pc) =	sbr.rel @p0 .LBB2_11-.Ltmp8, $2  }
0x1be: {  	_ =	sdelay $0x2  }
0x1bf: {  	v6 =	vimm.f32 $0.0e+00  }
0x1c0: {  	p1 =	sne.s32 s15, $0x1  }
.Ltmp9:
0x1c1: {  	s19 =	sand.u32 $0x70, s16;
	s20 =	sand.u32 $0xFFFFFF00, s16;
	(pc) =	sbr.rel @!p1 .LBB2_14-.Ltmp9, $3  }
0x1c2: {  	s20 =	sor.u32 s19, s20  }
0x1c3: {  	v8 =	vld [tilespmem:s20+$0x8000];
	_ =	sdelay $0x1  }
0x1c4: {  	s21 =	simm.s32 $0x0;
	v7 =	vimm.f32 $0.0e+00;
	s19 =	sadd.s32 $0xFFFFFFFF, s15;
	s20 =	sadd.s32 $0x10, s16  }
.LBB2_13:
0x1c5: {  	s22 =	sand.u32 $0x70, s20;
	s21 =	sadd.s32 $0x20, s21;
	p1 =	sne.s32 s19, $0x1  }
.Ltmp10:
0x1c6: {  	s19 =	sadd.s32 $0xFFFFFFFF, s19;
	s23 =	sand.u32 $0xFFFFFF00, s21;
	(pc) =	sbr.rel @p1 .LBB2_13-.Ltmp10, $4  }
0x1c7: {  	s22 =	sor.u32 s22, s23;
	vm0 =	vgt.f32 v8, v4  }
0x1c8: {  	v9 =	vnsel vm0, $0x0, v8;
	v8 =	vld [tilespmem:s22+$0x8000];
	v10 =	vsel vm0, $0x3F800000, v0  }
0x1c9: {  	v6 =	vadd.f32 v9, v6;
	v7 =	vadd.f32 v10, v7  }
0x1ca: {  	s20 =	sadd.s32 $0x10, s20  }
.LBB2_14:
0x1cb: {  	_ = 	snop  }
.Ltmp11:
0x1cc: {  	_ = 	snop;
	(pc) =	sbr.rel .LBB2_15-.Ltmp11, $4  }
0x1cd: {  	vm0 =	vgt.f32 v8, v4  }
0x1ce: {  	v4 =	vnsel vm0, $0x0, v8  }
0x1cf: {  	v8 =	vsel vm0, $0x3F800000, v0;
	v6 =	vadd.f32 v4, v6  }
0x1d0: {  	v4 =	vadd.f32 v8, v7  }
.LBB2_16:
0x1d1: {  	p0 =	sgt.s32 s15, $0x0  }
.Ltmp12:
0x1d2: {  	_ = 	snop;
	(pc) =	sbr.rel @!p0 .LBB2_22-.Ltmp12, $2  }
0x1d3: {  	_ =	sdelay $0x2  }
0x1d4: {  	s16 =	simm.s32 $0x0  }
0x1d5: {  	p1 =	sne.s32 s15, $0x1  }
.Ltmp13:
0x1d6: {  	_ = 	snop;
	(pc) =	sbr.rel @!p1 .LBB2_18-.Ltmp13, $3  }
0x1d7: {  	_ =	sdelay $0x1  }
0x1d8: {  	s18 =	sand.u32 $0x70, s16  }
0x1d9: {  	s19 =	sand.u32 $0xFFFFFF00, s16;
	s17 =	sadd.s32 $0xFFFFFFFF, s15;
	p0 =	por $0x0, $0x0  }
0x1da: {  	s15 =	sor.u32 s18, s19  }
0x1db: {  	v6 =	vld [tilespmem:s15+$0xC100]  }
0x1dc: {  	v7 =	vld [tilespmem:s15+$0x8000];
	_ =	sdelay $0x3  }
0x1dd: {  	v8 =	vshll.u32 v6, $0x1  }
0x1de: {  	p1 =	sne.s32 s17, $0x1;
	v6 =	vand.u32 $0x7F, v6;
	vm0 =	vgt.f32 v7, v4;
	v8 =	vand.u32 $0xFFFFFF00, v8  }
.Ltmp14:
0x1df: {  	v6 =	vor.u32 v6, v8;
	(pc) =	sbr.rel @!p1 .LBB2_21-.Ltmp14, $4  }
0x1e0: {  	_ = 	snop  }
0x1e1: {  	v9 =	vsub.f32 v7, v4  }
0x1e2: {  	s17 =	sadd.s32 $0xFFFFFFFF, s17;
	s15 =	sadd.s32 $0x10, s16;
	s16 =	sadd.s32 $0x20, s16  }
0x1e3: {  	p0 =	por $0x1, $0x1;
	s18 =	sand.u32 $0x70, s15;
	s19 =	sand.u32 $0xFFFFFF00, s16;
	v7 =	vmax.f32 v9, $0.0e+00  }
.LBB2_20:
0x1e4: {  	p1 =	sne.s32 s17, $0x1;
	s18 =	sor.u32 s18, s19;
	[tilespmem:v6+s12+$0x0] =	vst.idx.msk vm0, v7  }
0x1e5: {  	v6 =	vld [tilespmem:s18+$0xC100]  }
0x1e6: {  	v7 =	vld [tilespmem:s18+$0x8000];
	_ =	sdelay $0x3  }
0x1e7: {  	v8 =	vshll.u32 v6, $0x1  }
0x1e8: {  	v6 =	vand.u32 $0x7F, v6;
	vm0 =	vgt.f32 v7, v4;
	v8 =	vand.u32 $0xFFFFFF00, v8  }
.Ltmp15:
0x1e9: {  	v6 =	vor.u32 v6, v8;
	(pc) =	sbr.rel @p1 .LBB2_20-.Ltmp15, $4  }
0x1ea: {  	_ = 	snop  }
0x1eb: {  	v7 =	vsub.f32 v7, v4  }
0x1ec: {  	s16 =	sadd.s32 $0x20, s16;
	s15 =	sadd.s32 $0x10, s15  }
0x1ed: {  	s17 =	sadd.s32 $0xFFFFFFFF, s17;
	s19 =	sand.u32 $0xFFFFFF00, s16;
	s18 =	sand.u32 $0x70, s15;
	v7 =	vmax.f32 v7, $0.0e+00  }
.LBB2_21:
0x1ee: {  	_ =	sdelay $0x4  }
0x1ef: {  	s15 =	sor.u32 s18, s19;
	[tilespmem:v6+s12+$0x0] =	vst.idx.msk @p0 vm0, v7  }
0x1f0: {  	v6 =	vld [tilespmem:s15+$0xC100]  }
0x1f1: {  	v7 =	vld [tilespmem:s15+$0x8000];
	_ =	sdelay $0x3  }
0x1f2: {  	v8 =	vshll.u32 v6, $0x1  }
0x1f3: {  	vm15 =	vgt.f32 v7, v4;
	v6 =	vand.u32 $0x7F, v6;
	v8 =	vand.u32 $0xFFFFFF00, v8  }
0x1f4: {  	v6 =	vor.u32 v6, v8;
	_ =	sdelay $0x1  }
0x1f5: {  	v4 =	vsub.f32 v7, v4;
	_ =	sdelay $0x1  }
0x1f6: {  	v4 =	vmax.f32 v4, $0.0e+00  }
0x1f7: {  	[tilespmem:v6+s12+$0x0] =	vst.idx.msk vm15, v4  }
.LBB2_22:
0x1f8: {  	s15 =	simm.s32 $0x4000  }
0x1f9: {  	s16 =	simm.s32 $0x80;
	s18 =	sadd.s32 $0x0, s3;
	s17 =	simm.s32 $0x4100  }
.LBB2_23:
0x1fa: {  	[hbm4b:s18+s2] =	stream.linear.scatter [tilespmem:s15], [sflag:$0x2], $0x80, $0x38;
	[tilespmem:$0x10A00] =	vst v63  }
0x1fb: {  	s18 =	smov.u32 s16;
	s15 =	smov.u32 s17;
	p0 =	sne.s32 s16, $0x1F80  }
.Ltmp16:
0x1fc: {  	s16 =	sadd.s32 $0x80, s16;
	(pc) =	sbr.rel @p0 .LBB2_23-.Ltmp16, $2  }
0x1fd: {  	_ =	sdelay $0x2  }
0x1fe: {  	s17 =	sadd.s32 $0x100, s17;
	s18 =	sadd.s32 s18, s3  }
0x1ff: {  	v4 =	vcvt.s32.f32 v5;
	_ =	sdelay $0x1  }
0x200: {  	(xrf0) =	vmax.scan.msk.f32 $0xffff, v4;
	_ =	sdelay $0x5  }
0x201: {  	v4, _, _ =	vpop (xrf0)  }
0x202: {  	(v2sf) =	vpush v4, $0xF;
	_ =	sdelay $0xd  }
0x203: {  	[hbm4b:s18+s2] =	stream.linear.scatter [tilespmem:s15], [sflag:$0x2], $0x80, $0x38;
	[tilespmem:$0x10A00] =	vst v63  }
0x204: {  	s16 =	spop (v2sf)  }
0x205: {  	s16 =	scvt.f32.s32 s16  }
.Ltmp17:
0x206: {  	_ = 	snop;
	(pc) =	sbr.rel .LBB2_25-.Ltmp17, $4  }
0x207: {  	s31 =	sshll.u32 s16, $0x1  }
0x208: {  	s17 =	sand.u32 $0x7F, s16;
	s16 =	sadd.s32 $0xF, s16;
	s15 =	sand.u32 $0xFFFFFF00, s31  }
0x209: {  	s18 =	simm.f32 $-2.000000000e+00;
	s17 =	sor.u32 s17, s15;
	s15 =	sshra.s32 s16, $0x4  }
0x20a: {  	s16 =	simm.s32 $0x0;
	[tilespmem:s17+$0x8080] =	vst v2;
	p0 =	slt.s32 s15, $0x1;
	s17 =	simm.s32 $0x0  }
.LBB2_26:
0x20b: {  	v3 =	vimm.f32 $0.0e+00  }
.LBB2_30:
0x20c: {  	(xrf2) =	vadd.scan.msk.f32 $0xffff, v4  }
0x20d: {  	(xrf2) =	vadd.scan.msk.f32 $0xffff, v3;
	_ =	sdelay $0x8  }
0x20e: {  	v3, _, _ =	vpop (xrf2)  }
0x20f: {  	(v2sf) =	vpush v3, $0xF;
	v3, _, _ =	vpop (xrf2)  }
0x210: {  	(v2sf) =	vpush v3, $0xF;
	_ =	sdelay $0xd  }
0x211: {  	s19 =	spop (v2sf)  }
0x212: {  	s20 =	spop (v2sf)  }
0x213: {  	s21 =	smax.f32 s20, $1.000000000e+00  }
0x214: {  	v3 =	vmov s21  }
0x215: {  	p1 =	slt.f32 s20, s18;
	p2 =	sgt.f32 s20, s18;
	(erf) = vrcp.f32 v3  }
0x216: {  	_ = 	snop  }
0x217: {  	p1 =	por p2, p1  }
0x218: {  	p1 =	por !p1, !p1  }
0x219: {  	p2 =	slt.u32 @!p1 s17, $0x7F  }
0x21a: {  	p1 =	por p1, !p2  }
.Ltmp18:
0x21b: {  	_ = 	snop;
	(pc) =	sbr.rel @p1 .LBB2_31-.Ltmp18, $4  }
0x21c: {  	_ = 	snop  }
0x21d: {  	s31 =	sadd.f32 $-1.000000000e+00, s19  }
0x21e: {  	v3 =	vpop (erf)  }
0x21f: {  	s18 =	smov.u32 s20;
	s17 =	sadd.s32 $0x1, s17;
	v3 =	vmul.f32 s31, v3  }
.LBB2_25:
.Ltmp19:
0x220: {  	(pc) =	sbr.rel @p0 .LBB2_26-.Ltmp19, $2  }
0x221: {  	_ =	sdelay $0x2  }
0x222: {  	v4 =	vimm.f32 $0.0e+00  }
0x223: {  	p1 =	sne.s32 s15, $0x1  }
.Ltmp20:
0x224: {  	s19 =	sand.u32 $0x70, s16;
	s20 =	sand.u32 $0xFFFFFF00, s16;
	(pc) =	sbr.rel @!p1 .LBB2_29-.Ltmp20, $3  }
0x225: {  	s20 =	sor.u32 s19, s20  }
0x226: {  	v6 =	vld [tilespmem:s20+$0x8080];
	_ =	sdelay $0x1  }
0x227: {  	s21 =	simm.s32 $0x0;
	v5 =	vimm.f32 $0.0e+00;
	s19 =	sadd.s32 $0xFFFFFFFF, s15;
	s20 =	sadd.s32 $0x10, s16  }
.LBB2_28:
0x228: {  	s22 =	sand.u32 $0x70, s20;
	s21 =	sadd.s32 $0x20, s21;
	p1 =	sne.s32 s19, $0x1  }
.Ltmp21:
0x229: {  	s19 =	sadd.s32 $0xFFFFFFFF, s19;
	s23 =	sand.u32 $0xFFFFFF00, s21;
	(pc) =	sbr.rel @p1 .LBB2_28-.Ltmp21, $4  }
0x22a: {  	s22 =	sor.u32 s22, s23;
	vm0 =	vgt.f32 v6, v3  }
0x22b: {  	v7 =	vnsel vm0, $0x0, v6;
	v6 =	vld [tilespmem:s22+$0x8080];
	v8 =	vsel vm0, $0x3F800000, v0  }
0x22c: {  	v4 =	vadd.f32 v7, v4;
	v5 =	vadd.f32 v8, v5  }
0x22d: {  	s20 =	sadd.s32 $0x10, s20  }
.LBB2_29:
0x22e: {  	_ = 	snop  }
.Ltmp22:
0x22f: {  	_ = 	snop;
	(pc) =	sbr.rel .LBB2_30-.Ltmp22, $4  }
0x230: {  	vm0 =	vgt.f32 v6, v3  }
0x231: {  	v3 =	vnsel vm0, $0x0, v6  }
0x232: {  	v6 =	vsel vm0, $0x3F800000, v0;
	v4 =	vadd.f32 v3, v4  }
0x233: {  	v3 =	vadd.f32 v6, v5  }
.LBB2_31:
0x234: {  	p0 =	sgt.s32 s15, $0x0  }
.Ltmp23:
0x235: {  	_ = 	snop;
	(pc) =	sbr.rel @!p0 .LBB2_37-.Ltmp23, $2  }
0x236: {  	_ =	sdelay $0x2  }
0x237: {  	s16 =	simm.s32 $0x0  }
0x238: {  	p1 =	sne.s32 s15, $0x1  }
.Ltmp24:
0x239: {  	_ = 	snop;
	(pc) =	sbr.rel @!p1 .LBB2_33-.Ltmp24, $3  }
0x23a: {  	_ =	sdelay $0x1  }
0x23b: {  	s18 =	sand.u32 $0x70, s16  }
0x23c: {  	s19 =	sand.u32 $0xFFFFFF00, s16;
	s17 =	sadd.s32 $0xFFFFFFFF, s15;
	p0 =	por $0x0, $0x0  }
0x23d: {  	s15 =	sor.u32 s19, s18  }
0x23e: {  	v4 =	vld [tilespmem:s15+$0xC180];
	_ =	sdelay $0x1  }
0x23f: {  	v5 =	vld [tilespmem:s15+$0x8080];
	_ =	sdelay $0x2  }
0x240: {  	v6 =	vshll.u32 v4, $0x1  }
0x241: {  	v4 =	vand.u32 $0x7F, v4;
	v6 =	vand.u32 $0xFFFFFF00, v6  }
0x242: {  	p1 =	sne.s32 s17, $0x1;
	vm0 =	vgt.f32 v5, v3;
	v4 =	vor.u32 v6, v4  }
.Ltmp25:
0x243: {  	v4 =	vor.u32 $0x80, v4;
	(pc) =	sbr.rel @!p1 .LBB2_36-.Ltmp25, $4  }
0x244: {  	_ = 	snop  }
0x245: {  	v7 =	vsub.f32 v5, v3  }
0x246: {  	s17 =	sadd.s32 $0xFFFFFFFF, s17;
	s15 =	sadd.s32 $0x10, s16;
	s16 =	sadd.s32 $0x20, s16  }
0x247: {  	p0 =	por $0x1, $0x1;
	s18 =	sand.u32 $0x70, s15;
	s19 =	sand.u32 $0xFFFFFF00, s16;
	v5 =	vmax.f32 v7, $0.0e+00  }
.LBB2_35:
0x248: {  	p1 =	sne.s32 s17, $0x1;
	s18 =	sor.u32 s19, s18;
	[tilespmem:v4+s12+$0x0] =	vst.idx.msk vm0, v5  }
0x249: {  	v4 =	vld [tilespmem:s18+$0xC180];
	_ =	sdelay $0x1  }
0x24a: {  	v5 =	vld [tilespmem:s18+$0x8080];
	_ =	sdelay $0x2  }
0x24b: {  	v6 =	vshll.u32 v4, $0x1  }
0x24c: {  	v4 =	vand.u32 $0x7F, v4;
	v6 =	vand.u32 $0xFFFFFF00, v6  }
0x24d: {  	vm0 =	vgt.f32 v5, v3;
	v4 =	vor.u32 v6, v4  }
.Ltmp26:
0x24e: {  	v4 =	vor.u32 $0x80, v4;
	(pc) =	sbr.rel @p1 .LBB2_35-.Ltmp26, $4  }
0x24f: {  	_ = 	snop  }
0x250: {  	v5 =	vsub.f32 v5, v3  }
0x251: {  	s16 =	sadd.s32 $0x20, s16;
	s15 =	sadd.s32 $0x10, s15  }
0x252: {  	s17 =	sadd.s32 $0xFFFFFFFF, s17;
	s19 =	sand.u32 $0xFFFFFF00, s16;
	s18 =	sand.u32 $0x70, s15;
	v5 =	vmax.f32 v5, $0.0e+00  }
.LBB2_36:
0x253: {  	_ =	sdelay $0x4  }
0x254: {  	s15 =	sor.u32 s19, s18;
	[tilespmem:v4+s12+$0x0] =	vst.idx.msk @p0 vm0, v5  }
0x255: {  	v4 =	vld [tilespmem:s15+$0xC180];
	_ =	sdelay $0x1  }
0x256: {  	v5 =	vld [tilespmem:s15+$0x8080];
	_ =	sdelay $0x2  }
0x257: {  	v6 =	vshll.u32 v4, $0x1  }
0x258: {  	v4 =	vand.u32 $0x7F, v4;
	v6 =	vand.u32 $0xFFFFFF00, v6  }
0x259: {  	vm15 =	vgt.f32 v5, v3;
	v4 =	vor.u32 v6, v4  }
0x25a: {  	v4 =	vor.u32 $0x80, v4;
	_ =	sdelay $0x1  }
0x25b: {  	v3 =	vsub.f32 v5, v3;
	_ =	sdelay $0x1  }
0x25c: {  	v3 =	vmax.f32 v3, $0.0e+00  }
0x25d: {  	[tilespmem:v4+s12+$0x0] =	vst.idx.msk vm15, v3  }
.LBB2_37:
0x25e: {  	s15 =	simm.s32 $0x4080  }
0x25f: {  	s16 =	simm.s32 $0x80;
	s18 =	sadd.s32 $0x0, s5;
	s17 =	simm.s32 $0x4180  }
.LBB2_38:
0x260: {  	[hbm4b:s18+s2] =	stream.linear.scatter [tilespmem:s15], [sflag:$0x2], $0x80, $0x38;
	[tilespmem:$0x10A00] =	vst v63  }
0x261: {  	s18 =	smov.u32 s16;
	s15 =	smov.u32 s17;
	p0 =	sne.s32 s16, $0x1F80  }
.Ltmp27:
0x262: {  	s16 =	sadd.s32 $0x80, s16;
	(pc) =	sbr.rel @p0 .LBB2_38-.Ltmp27, $2  }
0x263: {  	_ =	sdelay $0x2  }
0x264: {  	s17 =	sadd.s32 $0x100, s17;
	s18 =	sadd.s32 s18, s5  }
0x265: {  	[hbm4b:s18+s2] =	stream.linear.scatter [tilespmem:s15], [sflag:$0x2], $0x80, $0x38;
	[tilespmem:$0x10A00] =	vst v63  }
0x266: {  	s14 =	sadd.s32 $0x1, s14  }
0x267: {  	_ =	swait.ge [sflag:s13], $0x2000;
	p0 =	sne.s32 s14, s6  }
.Ltmp28:
0x268: {  	[sflag:s13] =	ssyncset.done $0x0;
	(pc) =	sbr.rel @p0 .LBB2_1-.Ltmp28, $4  }
.Ltmp29:
0x269: {  	[sflag:s13] =	ssyncadd.s32 $0xFFFFE000;
	(pc) =	sbr.rel @!p0 .LBB2_40-.Ltmp29, $4  }
0x26a: {  	_ =	swait.ge [sflag:s13], $0x2000  }
0x26b: {  	[sflag:s13] =	ssyncset.done $0x0  }
0x26c: {  	[sflag:s13] =	ssyncadd.s32 $0xFFFFE000  }
0x26d: {  	_ = 	snop  }
.LBB2_18:
.Ltmp30:
0x26e: {  	(pc) =	sbr.rel .LBB2_21-.Ltmp30, $2  }
0x26f: {  	_ =	sdelay $0x2  }
0x270: {  	_ = 	snop  }
.LBB2_33:
.Ltmp31:
0x271: {  	(pc) =	sbr.rel .LBB2_36-.Ltmp31, $2  }
0x272: {  	_ =	sdelay $0x2  }
0x273: {  	_ = 	snop  }
.LBB2_40:
0x274: {  	_ =	sfence.sel $0x180000  }
0x275: {  	[bflag:$0x0] =	sbarrier.arrive $0xFFFF  }
0x276: {  	p0 =	sne.s32 s1, $0x0;
	_ =	strace $0x90000047  }
0x277: {  	s0 =	sadd.s32 @!p0 $0x100000, s0;
	[bflag:$0x2] =	sbarrier.arrive $0xFFFF  }
0x278: {  	[sflag:s0] =	ssyncadd.tile.s32 @!p0 $0x1;
	_ =	shalt  }
.Lfunc_end2:
_tile_overlayer_lowered:
.L_overlay_start_2:
0x279: {  	(tag) =	ssettag $0x2  }
0x27a: {  	s0 =	rddreg [dreg:$0x0];
	s2 =	stileid.u32  }
0x27b: {  	s1 =	rddreg [dreg:$0x1];
	p0 =	sne.s32 s2, $0x0  }
0x27c: {  	s3 =	rddreg [dreg:$0x2];
	[bflag:$0x3] =	sbarrier.arrive $0xFFFF;
	s2 =	simm.s32 @!p0 $0x1C03  }
0x27d: {  	[timem:s3], [sflag:s2] =	dma.local @!p0 [hbm:s0], s1  }
0x27e: {  	s0 =	simm.s32 @!p0 $0x3  }
0x27f: {  	_ =	swait.ge @!p0 [sflag:s0], s1  }
0x280: {  	s1 =	ssub.s32 @!p0 $0x0, s1;
	[sflag:s0] =	ssyncset.done @!p0 $0x0  }
0x281: {  	[sflag:s0] =	ssyncadd.s32 @!p0 s1  }
0x282: {  	[bflag:$0x3] =	sbarrier.arrive $0xFFFF  }
0x283: {  	_ =	shalt  }

</sc_bundles>
